<compile_context>
chip_gen: v7x
topology: tpu7x:2x2x1
jax: 0.10.2.dev20260603
libtpu: 0.0.44.dev20260713+nightly
codegen_flags: <defaults>
</compile_context>

<pallas_src>
import functools

import jax
import jax.numpy as jnp
from jax import lax
from jax.experimental import pallas as pl
from jax.experimental.pallas import tpu as pltpu
from jax.experimental.pallas import tpu_sc as plsc

N_TOKENS = 4096
IN_FEAT = 1024
OUT_FEAT = 1024
NUM_EXPERT = 8

NUM_CORES = 2
NUM_SUBCORES = 16
NW = NUM_CORES * NUM_SUBCORES
ROWS_PER_W = N_TOKENS // NW
CHUNK = 32
CHUNKS = ROWS_PER_W // CHUNK
NBUF = 2

BLOCK_M = 512
M_TILES = N_TOKENS // BLOCK_M
T_STEPS = M_TILES + NUM_EXPERT - 1


def _routing_metadata(gate):
    g = gate.astype(jnp.int32)
    eids = jnp.arange(NUM_EXPERT, dtype=jnp.int32)
    ohf = (g[:, None] == eids[None, :]).astype(jnp.float32)
    oh3 = ohf.reshape(N_TOKENS // 128, 128, NUM_EXPERT)
    tril = jnp.tril(jnp.ones((128, 128), jnp.float32))
    local_incl = jnp.einsum('lk,bke->ble', tril, oh3)
    blocksums = jnp.sum(oh3, axis=1)
    prefix = jnp.cumsum(blocksums, axis=0) - blocksums
    csum = (local_incl + prefix[:, None, :]).reshape(N_TOKENS, NUM_EXPERT)
    within = jnp.sum(ohf * csum, axis=1).astype(jnp.int32) - 1
    counts = jnp.sum(blocksums, axis=0).astype(jnp.int32)
    ends = jnp.cumsum(counts)
    offs = ends - counts
    oh = ohf.astype(jnp.int32)
    rank = jnp.sum(oh * offs[None, :], axis=1) + within

    first = offs // BLOCK_M
    last = (ends - 1) // BLOCK_M
    ntile = jnp.where(counts > 0, last - first + 1, 0)
    tends = jnp.cumsum(ntile)
    tstarts = tends - ntile
    total = tends[NUM_EXPERT - 1]

    t = jnp.arange(T_STEPS, dtype=jnp.int32)
    e_of_t = jnp.minimum(
        jnp.sum((tends[None, :] <= t[:, None]).astype(jnp.int32), axis=1),
        NUM_EXPERT - 1)
    eoh = (e_of_t[:, None] == eids[None, :]).astype(jnp.int32)
    m_of_t = (jnp.sum(eoh * first[None, :], axis=1)
              + t - jnp.sum(eoh * tstarts[None, :], axis=1))
    lo_t = jnp.clip(jnp.sum(eoh * offs[None, :], axis=1) - m_of_t * BLOCK_M,
                    0, BLOCK_M)
    hi_t = jnp.clip(jnp.sum(eoh * ends[None, :], axis=1) - m_of_t * BLOCK_M,
                    0, BLOCK_M)
    valid = t < total
    e_of_t = jnp.where(valid, e_of_t, NUM_EXPERT - 1)
    m_of_t = jnp.where(valid, m_of_t, M_TILES - 1)
    lo_t = jnp.where(valid, lo_t, 0)
    hi_t = jnp.where(valid, hi_t, 0)
    return (rank.astype(jnp.int32), e_of_t.astype(jnp.int32),
            m_of_t.astype(jnp.int32), lo_t.astype(jnp.int32),
            hi_t.astype(jnp.int32))


@functools.lru_cache(maxsize=None)
def _sc_kernels():
    mesh = plsc.VectorSubcoreMesh(core_axis_name="c", subcore_axis_name="s")
    scratch = [
        pltpu.VMEM((CHUNKS, CHUNK), jnp.int32),
        [pltpu.VMEM((CHUNK, IN_FEAT), jnp.float32) for _ in range(NBUF)],
        [pltpu.SemaphoreType.DMA for _ in range(NBUF)],
        [pltpu.SemaphoreType.DMA for _ in range(NBUF)],
    ]

    @functools.partial(
        pl.kernel, mesh=mesh,
        out_type=jax.ShapeDtypeStruct((N_TOKENS, IN_FEAT), jnp.float32),
        scratch_types=scratch,
    )
    def _sc_dispatch(x_hbm, idx_hbm, out_hbm, idx_v, rows, in_sems, out_sems):
        wid = lax.axis_index("s") * NUM_CORES + lax.axis_index("c")
        base = wid * ROWS_PER_W
        pltpu.sync_copy(idx_hbm.at[wid], idx_v)

        def load(j, b):
            return pltpu.async_copy(
                x_hbm.at[pl.ds(base + j * CHUNK, CHUNK)], rows[b], in_sems[b])

        def store(j, b):
            return pltpu.async_copy(
                rows[b], out_hbm.at[idx_v.at[j]], out_sems[b])

        loads = [None] * NBUF
        stores = [None] * NBUF
        loads[0] = load(0, 0)
        for j in range(CHUNKS):
            b = j % NBUF
            nb = (j + 1) % NBUF
            if j + 1 < CHUNKS:
                if stores[nb] is not None:
                    stores[nb].wait()
                    stores[nb] = None
                loads[nb] = load(j + 1, nb)
            loads[b].wait()
            stores[b] = store(j, b)
        for b in range(NBUF):
            if stores[b] is not None:
                stores[b].wait()

    @functools.partial(
        pl.kernel, mesh=mesh,
        out_type=jax.ShapeDtypeStruct((N_TOKENS, OUT_FEAT), jnp.float32),
        scratch_types=scratch,
    )
    def _sc_combine(y_hbm, idx_hbm, out_hbm, idx_v, rows, in_sems, out_sems):
        wid = lax.axis_index("s") * NUM_CORES + lax.axis_index("c")
        base = wid * ROWS_PER_W
        pltpu.sync_copy(idx_hbm.at[wid], idx_v)

        def load(j, b):
            return pltpu.async_copy(
                y_hbm.at[idx_v.at[j]], rows[b], in_sems[b])

        def store(j, b):
            return pltpu.async_copy(
                rows[b], out_hbm.at[pl.ds(base + j * CHUNK, CHUNK)],
                out_sems[b])

        loads = [None] * NBUF
        stores = [None] * NBUF
        loads[0] = load(0, 0)
        for j in range(CHUNKS):
            b = j % NBUF
            nb = (j + 1) % NBUF
            if j + 1 < CHUNKS:
                if stores[nb] is not None:
                    stores[nb].wait()
                    stores[nb] = None
                loads[nb] = load(j + 1, nb)
            loads[b].wait()
            stores[b] = store(j, b)
        for b in range(NBUF):
            if stores[b] is not None:
                stores[b].wait()

    return _sc_dispatch, _sc_combine


def _mm_body(e_ref, m_ref, lo_ref, hi_ref, x_ref, w_ref, o_ref):
    t = pl.program_id(0)
    tm1 = jnp.maximum(t - 1, 0)
    rows = lax.broadcasted_iota(jnp.int32, (BLOCK_M, 1), 0)
    mask = ((rows >= lo_ref[t]) & (rows < hi_ref[t])).astype(jnp.bfloat16)
    xm = x_ref[...].astype(jnp.bfloat16) * mask
    partial = lax.dot_general(
        xm, w_ref[0].astype(jnp.bfloat16),
        dimension_numbers=(((1,), (1,)), ((), ())),
        preferred_element_type=jnp.float32,
    )
    first_visit = jnp.logical_or(t == 0, m_ref[t] != m_ref[tm1])

    @pl.when(first_visit)
    def _init():
        o_ref[...] = partial

    @pl.when(jnp.logical_not(first_visit))
    def _acc():
        o_ref[...] += partial


def _grouped_matmul(x_sorted, weight, e_of_t, m_of_t, lo_t, hi_t):
    grid_spec = pltpu.PrefetchScalarGridSpec(
        num_scalar_prefetch=4,
        grid=(T_STEPS,),
        in_specs=[
            pl.BlockSpec((BLOCK_M, IN_FEAT),
                         lambda t, e, m, lo, hi: (m[t], 0)),
            pl.BlockSpec((1, OUT_FEAT, IN_FEAT),
                         lambda t, e, m, lo, hi: (e[t], 0, 0)),
        ],
        out_specs=pl.BlockSpec((BLOCK_M, OUT_FEAT),
                               lambda t, e, m, lo, hi: (m[t], 0)),
    )
    return pl.pallas_call(
        _mm_body,
        grid_spec=grid_spec,
        out_shape=jax.ShapeDtypeStruct((N_TOKENS, OUT_FEAT), jnp.float32),
    )(e_of_t, m_of_t, lo_t, hi_t, x_sorted, weight)


def kernel(inp, gate, weight):
    rank, e_of_t, m_of_t, lo_t, hi_t = _routing_metadata(gate)
    rank3 = rank.reshape(NW, CHUNKS, CHUNK)
    sc_dispatch, sc_combine = _sc_kernels()
    x_sorted = sc_dispatch(inp, rank3)
    y_sorted = _grouped_matmul(x_sorted, weight, e_of_t, m_of_t, lo_t, hi_t)
    return sc_combine(y_sorted, rank3)

# --- scband reference (transcript-rebuilt; emitter-appended) ---
"""Pipeline reference for scband-fmo-e-77292231459432 (READ-ONLY COPY).

The authoritative reference and input builder live on the scoring server;
editing this copy changes nothing except your own understanding.
"""

import jax, jax.numpy as jnp
import numpy as np

NUM_EXPERT = 8
IN_FEAT = 1024
OUT_FEAT = 1024
N_TOKENS = 4096


def setup_inputs(seed: int = 0) -> dict:
    key = jax.random.key(seed)
    k1, k2, k3 = jax.random.split(key, 3)
    inp = jax.random.normal(k1, (N_TOKENS, IN_FEAT), dtype=jnp.float32)
    gate = jax.random.randint(k2, (N_TOKENS,), 0, NUM_EXPERT, dtype=jnp.int64)
    # FMoELinear weight: [num_expert, out_feat, in_feat], kaiming-style scale
    scale = 1.0 / np.sqrt(IN_FEAT)
    weight = jax.random.normal(k3, (NUM_EXPERT, OUT_FEAT, IN_FEAT), dtype=jnp.float32) * scale
    return {"inp": inp, "gate": gate, "weight": weight}


def reference(inp, gate, weight):
    # Faithful FMoE forward (world_size=1): each token i is dispatched to
    # expert gate[i], which applies its own linear: out[i] = inp[i] @ weight[gate[i]].T
    # Computed as all-expert batched matmul followed by one-hot combine
    # (mathematically identical to scatter-dispatch / gather-combine).
    all_out = jnp.einsum('nd,eod->neo', inp, weight)
    onehot = jax.nn.one_hot(gate, NUM_EXPERT, dtype=inp.dtype)
    out = jnp.einsum('neo,ne->no', all_out, onehot)
    return out

if __name__ == "__main__":
    import jax
    _d = setup_inputs()
    print(jax.jit(kernel)(*tuple(_d.values())))

</pallas_src>

<mosaic_0001>
#map = affine_map<(d0, d1) -> (0, 0)>
#map1 = affine_map<(d0, d1) -> (0, 0, 0)>
module attributes {stable_mosaic.version = 14 : i64} {
  func.func @_sc_combine(%arg0: i32, %arg1: i32, %arg2: memref<4096x1024xf32, #tpu.memory_space<hbm>>, %arg3: memref<32x4x32xi32, #tpu.memory_space<hbm>>, %arg4: memref<4096x1024xf32, #tpu.memory_space<hbm>>, %arg5: memref<4x32xi32, #tpu.memory_space<vmem>>, %arg6: memref<32x1024xf32, #tpu.memory_space<vmem>>, %arg7: memref<32x1024xf32, #tpu.memory_space<vmem>>, %arg8: memref<!tpu.dma_semaphore, #tpu.memory_space<semaphore_mem>>, %arg9: memref<!tpu.dma_semaphore, #tpu.memory_space<semaphore_mem>>, %arg10: memref<!tpu.dma_semaphore, #tpu.memory_space<semaphore_mem>>, %arg11: memref<!tpu.dma_semaphore, #tpu.memory_space<semaphore_mem>>) attributes {dimension_semantics = [#tpu.dimension_semantics<core_parallel>, #tpu.dimension_semantics<subcore_parallel>], iteration_bounds = array<i64: 2, 16>, scalar_prefetch = 0 : i64, scratch_operands = 7 : i64, tpu.core_type = #tpu.core_type<sc_vector_subcore>, window_params = [{transform_indices = #map}, {transform_indices = #map1}, {transform_indices = #map}]} {
    %mul3A = arith.constant 2 : i32
    %mul3A_0 = arith.muli %arg1, %mul3A : i32
    %add3A = arith.addi %mul3A_0, %arg0 : i32
    %mul3A_1 = arith.constant 128 : i32
    %mul3A_2 = arith.muli %add3A, %mul3A_1 : i32
    "tpu.region"() ({
      %run_scoped3A = tpu.sem_alloc : memref<!tpu.dma_semaphore, #tpu.memory_space<semaphore_mem>>
      %dma_start3A_97 = arith.constant 0 : i32
      %dma_start3A_98 = arith.constant 0 : i32
      %dma_start3A_99 = tpu.memref_slice %arg3[%add3A, %dma_start3A_97, %dma_start3A_98] : memref<32x4x32xi32, #tpu.memory_space<hbm>> -> memref<1x4x32xi32, #tpu.memory_space<hbm>>
      %dma_start3A_100 = tpu.memref_squeeze %dma_start3A_99 : memref<1x4x32xi32, #tpu.memory_space<hbm>> -> memref<4x32xi32, #tpu.memory_space<hbm>>
      %dma_start3A_101 = arith.constant 0 : i32
      %dma_start3A_102 = arith.constant 0 : i32
      %dma_start3A_103 = tpu.memref_slice %arg3[%add3A, %dma_start3A_101, %dma_start3A_102] : memref<32x4x32xi32, #tpu.memory_space<hbm>> -> memref<1x4x32xi32, #tpu.memory_space<hbm>>
      %dma_start3A_104 = tpu.memref_squeeze %dma_start3A_103 : memref<1x4x32xi32, #tpu.memory_space<hbm>> -> memref<4x32xi32, #tpu.memory_space<hbm>>
      tpu.enqueue_dma source(%dma_start3A_104 : memref<4x32xi32, #tpu.memory_space<hbm>>) target(%arg5 : memref<4x32xi32, #tpu.memory_space<vmem>>) target_semaphore(%run_scoped3A : memref<!tpu.dma_semaphore, #tpu.memory_space<semaphore_mem>>)
      %dma_wait3A_105 = arith.constant 0 : i32
      %dma_wait3A_106 = arith.constant 0 : i32
      %dma_wait3A_107 = tpu.memref_slice %arg3[%add3A, %dma_wait3A_105, %dma_wait3A_106] : memref<32x4x32xi32, #tpu.memory_space<hbm>> -> memref<1x4x32xi32, #tpu.memory_space<hbm>>
      %dma_wait3A_108 = tpu.memref_squeeze %dma_wait3A_107 : memref<1x4x32xi32, #tpu.memory_space<hbm>> -> memref<4x32xi32, #tpu.memory_space<hbm>>
      %dma_wait3A_109 = arith.constant 0 : i32
      %dma_wait3A_110 = arith.constant 0 : i32
      %dma_wait3A_111 = tpu.memref_slice %arg3[%add3A, %dma_wait3A_109, %dma_wait3A_110] : memref<32x4x32xi32, #tpu.memory_space<hbm>> -> memref<1x4x32xi32, #tpu.memory_space<hbm>>
      %dma_wait3A_112 = tpu.memref_squeeze %dma_wait3A_111 : memref<1x4x32xi32, #tpu.memory_space<hbm>> -> memref<4x32xi32, #tpu.memory_space<hbm>>
      tpu.wait_dma2 semaphore(%run_scoped3A : memref<!tpu.dma_semaphore, #tpu.memory_space<semaphore_mem>>) src(%dma_wait3A_112 : memref<4x32xi32, #tpu.memory_space<hbm>>) dst(%arg5 : memref<4x32xi32, #tpu.memory_space<vmem>>)
      tpu.yield
    }) : () -> ()
    %dma_start3A = arith.constant 0 : i32
    %dma_start3A_3 = arith.constant 0 : i32
    %dma_start3A_4 = tpu.memref_slice %arg5[%dma_start3A, %dma_start3A_3] : memref<4x32xi32, #tpu.memory_space<vmem>> -> memref<1x32xi32, #tpu.memory_space<vmem>>
    %dma_start3A_5 = tpu.memref_squeeze %dma_start3A_4 : memref<1x32xi32, #tpu.memory_space<vmem>> -> memref<32xi32, #tpu.memory_space<vmem>>
    %dma_start3A_6 = arith.constant 0 : i32
    %dma_start3A_7 = arith.constant 0 : i32
    %dma_start3A_8 = tpu.memref_slice %arg2[%dma_start3A_6, %dma_start3A_7] : memref<4096x1024xf32, #tpu.memory_space<hbm>> -> memref<4096x1024xf32, #tpu.memory_space<hbm>>
    tpu.enqueue_indirect_dma source(%dma_start3A_8 : memref<4096x1024xf32, #tpu.memory_space<hbm>>) target(%arg6 : memref<32x1024xf32, #tpu.memory_space<vmem>>) offsets(%dma_start3A_5 : memref<32xi32, #tpu.memory_space<vmem>>) semaphore(%arg8 : memref<!tpu.dma_semaphore, #tpu.memory_space<semaphore_mem>>)
    %dma_start3A_9 = arith.constant 1 : i32
    %dma_start3A_10 = arith.constant 0 : i32
    %dma_start3A_11 = tpu.memref_slice %arg5[%dma_start3A_9, %dma_start3A_10] : memref<4x32xi32, #tpu.memory_space<vmem>> -> memref<1x32xi32, #tpu.memory_space<vmem>>
    %dma_start3A_12 = tpu.memref_squeeze %dma_start3A_11 : memref<1x32xi32, #tpu.memory_space<vmem>> -> memref<32xi32, #tpu.memory_space<vmem>>
    %dma_start3A_13 = arith.constant 0 : i32
    %dma_start3A_14 = arith.constant 0 : i32
    %dma_start3A_15 = tpu.memref_slice %arg2[%dma_start3A_13, %dma_start3A_14] : memref<4096x1024xf32, #tpu.memory_space<hbm>> -> memref<4096x1024xf32, #tpu.memory_space<hbm>>
    tpu.enqueue_indirect_dma source(%dma_start3A_15 : memref<4096x1024xf32, #tpu.memory_space<hbm>>) target(%arg7 : memref<32x1024xf32, #tpu.memory_space<vmem>>) offsets(%dma_start3A_12 : memref<32xi32, #tpu.memory_space<vmem>>) semaphore(%arg9 : memref<!tpu.dma_semaphore, #tpu.memory_space<semaphore_mem>>)
    %dma_wait3A = arith.constant 0 : i32
    %dma_wait3A_16 = arith.constant 0 : i32
    %dma_wait3A_17 = tpu.memref_slice %arg5[%dma_wait3A, %dma_wait3A_16] : memref<4x32xi32, #tpu.memory_space<vmem>> -> memref<1x32xi32, #tpu.memory_space<vmem>>
    %dma_wait3A_18 = tpu.memref_squeeze %dma_wait3A_17 : memref<1x32xi32, #tpu.memory_space<vmem>> -> memref<32xi32, #tpu.memory_space<vmem>>
    %dma_wait3A_19 = arith.constant 0 : i32
    %dma_wait3A_20 = arith.constant 0 : i32
    %dma_wait3A_21 = tpu.memref_slice %arg2[%dma_wait3A_19, %dma_wait3A_20] : memref<4096x1024xf32, #tpu.memory_space<hbm>> -> memref<4096x1024xf32, #tpu.memory_space<hbm>>
    tpu.wait_indirect_dma semaphore(%arg8 : memref<!tpu.dma_semaphore, #tpu.memory_space<semaphore_mem>>) src(%dma_wait3A_21 : memref<4096x1024xf32, #tpu.memory_space<hbm>>) dst(%arg6 : memref<32x1024xf32, #tpu.memory_space<vmem>>)
    %add3A_22 = arith.constant 0 : i32
    %add3A_23 = arith.addi %mul3A_2, %add3A_22 : i32
    %dma_start3A_24 = arith.constant 0 : i32
    %dma_start3A_25 = tpu.memref_slice %arg4[%add3A_23, %dma_start3A_24] : memref<4096x1024xf32, #tpu.memory_space<hbm>> -> memref<32x1024xf32, #tpu.memory_space<hbm>>
    %dma_start3A_26 = arith.constant 0 : i32
    %dma_start3A_27 = tpu.memref_slice %arg4[%add3A_23, %dma_start3A_26] : memref<4096x1024xf32, #tpu.memory_space<hbm>> -> memref<32x1024xf32, #tpu.memory_space<hbm>>
    tpu.enqueue_dma source(%arg6 : memref<32x1024xf32, #tpu.memory_space<vmem>>) target(%dma_start3A_27 : memref<32x1024xf32, #tpu.memory_space<hbm>>) target_semaphore(%arg10 : memref<!tpu.dma_semaphore, #tpu.memory_space<semaphore_mem>>)
    %dma_wait3A_28 = arith.constant 0 : i32
    %dma_wait3A_29 = tpu.memref_slice %arg4[%add3A_23, %dma_wait3A_28] : memref<4096x1024xf32, #tpu.memory_space<hbm>> -> memref<32x1024xf32, #tpu.memory_space<hbm>>
    %dma_wait3A_30 = arith.constant 0 : i32
    %dma_wait3A_31 = tpu.memref_slice %arg4[%add3A_23, %dma_wait3A_30] : memref<4096x1024xf32, #tpu.memory_space<hbm>> -> memref<32x1024xf32, #tpu.memory_space<hbm>>
    tpu.wait_dma2 semaphore(%arg10 : memref<!tpu.dma_semaphore, #tpu.memory_space<semaphore_mem>>) src(%arg6 : memref<32x1024xf32, #tpu.memory_space<vmem>>) dst(%dma_wait3A_31 : memref<32x1024xf32, #tpu.memory_space<hbm>>)
    %dma_start3A_32 = arith.constant 2 : i32
    %dma_start3A_33 = arith.constant 0 : i32
    %dma_start3A_34 = tpu.memref_slice %arg5[%dma_start3A_32, %dma_start3A_33] : memref<4x32xi32, #tpu.memory_space<vmem>> -> memref<1x32xi32, #tpu.memory_space<vmem>>
    %dma_start3A_35 = tpu.memref_squeeze %dma_start3A_34 : memref<1x32xi32, #tpu.memory_space<vmem>> -> memref<32xi32, #tpu.memory_space<vmem>>
    %dma_start3A_36 = arith.constant 0 : i32
    %dma_start3A_37 = arith.constant 0 : i32
    %dma_start3A_38 = tpu.memref_slice %arg2[%dma_start3A_36, %dma_start3A_37] : memref<4096x1024xf32, #tpu.memory_space<hbm>> -> memref<4096x1024xf32, #tpu.memory_space<hbm>>
    tpu.enqueue_indirect_dma source(%dma_start3A_38 : memref<4096x1024xf32, #tpu.memory_space<hbm>>) target(%arg6 : memref<32x1024xf32, #tpu.memory_space<vmem>>) offsets(%dma_start3A_35 : memref<32xi32, #tpu.memory_space<vmem>>) semaphore(%arg8 : memref<!tpu.dma_semaphore, #tpu.memory_space<semaphore_mem>>)
    %dma_wait3A_39 = arith.constant 1 : i32
    %dma_wait3A_40 = arith.constant 0 : i32
    %dma_wait3A_41 = tpu.memref_slice %arg5[%dma_wait3A_39, %dma_wait3A_40] : memref<4x32xi32, #tpu.memory_space<vmem>> -> memref<1x32xi32, #tpu.memory_space<vmem>>
    %dma_wait3A_42 = tpu.memref_squeeze %dma_wait3A_41 : memref<1x32xi32, #tpu.memory_space<vmem>> -> memref<32xi32, #tpu.memory_space<vmem>>
    %dma_wait3A_43 = arith.constant 0 : i32
    %dma_wait3A_44 = arith.constant 0 : i32
    %dma_wait3A_45 = tpu.memref_slice %arg2[%dma_wait3A_43, %dma_wait3A_44] : memref<4096x1024xf32, #tpu.memory_space<hbm>> -> memref<4096x1024xf32, #tpu.memory_space<hbm>>
    tpu.wait_indirect_dma semaphore(%arg9 : memref<!tpu.dma_semaphore, #tpu.memory_space<semaphore_mem>>) src(%dma_wait3A_45 : memref<4096x1024xf32, #tpu.memory_space<hbm>>) dst(%arg7 : memref<32x1024xf32, #tpu.memory_space<vmem>>)
    %add3A_46 = arith.constant 32 : i32
    %add3A_47 = arith.addi %mul3A_2, %add3A_46 : i32
    %dma_start3A_48 = arith.constant 0 : i32
    %dma_start3A_49 = tpu.memref_slice %arg4[%add3A_47, %dma_start3A_48] : memref<4096x1024xf32, #tpu.memory_space<hbm>> -> memref<32x1024xf32, #tpu.memory_space<hbm>>
    %dma_start3A_50 = arith.constant 0 : i32
    %dma_start3A_51 = tpu.memref_slice %arg4[%add3A_47, %dma_start3A_50] : memref<4096x1024xf32, #tpu.memory_space<hbm>> -> memref<32x1024xf32, #tpu.memory_space<hbm>>
    tpu.enqueue_dma source(%arg7 : memref<32x1024xf32, #tpu.memory_space<vmem>>) target(%dma_start3A_51 : memref<32x1024xf32, #tpu.memory_space<hbm>>) target_semaphore(%arg11 : memref<!tpu.dma_semaphore, #tpu.memory_space<semaphore_mem>>)
    %dma_wait3A_52 = arith.constant 0 : i32
    %dma_wait3A_53 = tpu.memref_slice %arg4[%add3A_47, %dma_wait3A_52] : memref<4096x1024xf32, #tpu.memory_space<hbm>> -> memref<32x1024xf32, #tpu.memory_space<hbm>>
    %dma_wait3A_54 = arith.constant 0 : i32
    %dma_wait3A_55 = tpu.memref_slice %arg4[%add3A_47, %dma_wait3A_54] : memref<4096x1024xf32, #tpu.memory_space<hbm>> -> memref<32x1024xf32, #tpu.memory_space<hbm>>
    tpu.wait_dma2 semaphore(%arg11 : memref<!tpu.dma_semaphore, #tpu.memory_space<semaphore_mem>>) src(%arg7 : memref<32x1024xf32, #tpu.memory_space<vmem>>) dst(%dma_wait3A_55 : memref<32x1024xf32, #tpu.memory_space<hbm>>)
    %dma_start3A_56 = arith.constant 3 : i32
    %dma_start3A_57 = arith.constant 0 : i32
    %dma_start3A_58 = tpu.memref_slice %arg5[%dma_start3A_56, %dma_start3A_57] : memref<4x32xi32, #tpu.memory_space<vmem>> -> memref<1x32xi32, #tpu.memory_space<vmem>>
    %dma_start3A_59 = tpu.memref_squeeze %dma_start3A_58 : memref<1x32xi32, #tpu.memory_space<vmem>> -> memref<32xi32, #tpu.memory_space<vmem>>
    %dma_start3A_60 = arith.constant 0 : i32
    %dma_start3A_61 = arith.constant 0 : i32
    %dma_start3A_62 = tpu.memref_slice %arg2[%dma_start3A_60, %dma_start3A_61] : memref<4096x1024xf32, #tpu.memory_space<hbm>> -> memref<4096x1024xf32, #tpu.memory_space<hbm>>
    tpu.enqueue_indirect_dma source(%dma_start3A_62 : memref<4096x1024xf32, #tpu.memory_space<hbm>>) target(%arg7 : memref<32x1024xf32, #tpu.memory_space<vmem>>) offsets(%dma_start3A_59 : memref<32xi32, #tpu.memory_space<vmem>>) semaphore(%arg9 : memref<!tpu.dma_semaphore, #tpu.memory_space<semaphore_mem>>)
    %dma_wait3A_63 = arith.constant 2 : i32
    %dma_wait3A_64 = arith.constant 0 : i32
    %dma_wait3A_65 = tpu.memref_slice %arg5[%dma_wait3A_63, %dma_wait3A_64] : memref<4x32xi32, #tpu.memory_space<vmem>> -> memref<1x32xi32, #tpu.memory_space<vmem>>
    %dma_wait3A_66 = tpu.memref_squeeze %dma_wait3A_65 : memref<1x32xi32, #tpu.memory_space<vmem>> -> memref<32xi32, #tpu.memory_space<vmem>>
    %dma_wait3A_67 = arith.constant 0 : i32
    %dma_wait3A_68 = arith.constant 0 : i32
    %dma_wait3A_69 = tpu.memref_slice %arg2[%dma_wait3A_67, %dma_wait3A_68] : memref<4096x1024xf32, #tpu.memory_space<hbm>> -> memref<4096x1024xf32, #tpu.memory_space<hbm>>
    tpu.wait_indirect_dma semaphore(%arg8 : memref<!tpu.dma_semaphore, #tpu.memory_space<semaphore_mem>>) src(%dma_wait3A_69 : memref<4096x1024xf32, #tpu.memory_space<hbm>>) dst(%arg6 : memref<32x1024xf32, #tpu.memory_space<vmem>>)
    %add3A_70 = arith.constant 64 : i32
    %add3A_71 = arith.addi %mul3A_2, %add3A_70 : i32
    %dma_start3A_72 = arith.constant 0 : i32
    %dma_start3A_73 = tpu.memref_slice %arg4[%add3A_71, %dma_start3A_72] : memref<4096x1024xf32, #tpu.memory_space<hbm>> -> memref<32x1024xf32, #tpu.memory_space<hbm>>
    %dma_start3A_74 = arith.constant 0 : i32
    %dma_start3A_75 = tpu.memref_slice %arg4[%add3A_71, %dma_start3A_74] : memref<4096x1024xf32, #tpu.memory_space<hbm>> -> memref<32x1024xf32, #tpu.memory_space<hbm>>
    tpu.enqueue_dma source(%arg6 : memref<32x1024xf32, #tpu.memory_space<vmem>>) target(%dma_start3A_75 : memref<32x1024xf32, #tpu.memory_space<hbm>>) target_semaphore(%arg10 : memref<!tpu.dma_semaphore, #tpu.memory_space<semaphore_mem>>)
    %dma_wait3A_76 = arith.constant 3 : i32
    %dma_wait3A_77 = arith.constant 0 : i32
    %dma_wait3A_78 = tpu.memref_slice %arg5[%dma_wait3A_76, %dma_wait3A_77] : memref<4x32xi32, #tpu.memory_space<vmem>> -> memref<1x32xi32, #tpu.memory_space<vmem>>
    %dma_wait3A_79 = tpu.memref_squeeze %dma_wait3A_78 : memref<1x32xi32, #tpu.memory_space<vmem>> -> memref<32xi32, #tpu.memory_space<vmem>>
    %dma_wait3A_80 = arith.constant 0 : i32
    %dma_wait3A_81 = arith.constant 0 : i32
    %dma_wait3A_82 = tpu.memref_slice %arg2[%dma_wait3A_80, %dma_wait3A_81] : memref<4096x1024xf32, #tpu.memory_space<hbm>> -> memref<4096x1024xf32, #tpu.memory_space<hbm>>
    tpu.wait_indirect_dma semaphore(%arg9 : memref<!tpu.dma_semaphore, #tpu.memory_space<semaphore_mem>>) src(%dma_wait3A_82 : memref<4096x1024xf32, #tpu.memory_space<hbm>>) dst(%arg7 : memref<32x1024xf32, #tpu.memory_space<vmem>>)
    %add3A_83 = arith.constant 96 : i32
    %add3A_84 = arith.addi %mul3A_2, %add3A_83 : i32
    %dma_start3A_85 = arith.constant 0 : i32
    %dma_start3A_86 = tpu.memref_slice %arg4[%add3A_84, %dma_start3A_85] : memref<4096x1024xf32, #tpu.memory_space<hbm>> -> memref<32x1024xf32, #tpu.memory_space<hbm>>
    %dma_start3A_87 = arith.constant 0 : i32
    %dma_start3A_88 = tpu.memref_slice %arg4[%add3A_84, %dma_start3A_87] : memref<4096x1024xf32, #tpu.memory_space<hbm>> -> memref<32x1024xf32, #tpu.memory_space<hbm>>
    tpu.enqueue_dma source(%arg7 : memref<32x1024xf32, #tpu.memory_space<vmem>>) target(%dma_start3A_88 : memref<32x1024xf32, #tpu.memory_space<hbm>>) target_semaphore(%arg11 : memref<!tpu.dma_semaphore, #tpu.memory_space<semaphore_mem>>)
    %dma_wait3A_89 = arith.constant 0 : i32
    %dma_wait3A_90 = tpu.memref_slice %arg4[%add3A_71, %dma_wait3A_89] : memref<4096x1024xf32, #tpu.memory_space<hbm>> -> memref<32x1024xf32, #tpu.memory_space<hbm>>
    %dma_wait3A_91 = arith.constant 0 : i32
    %dma_wait3A_92 = tpu.memref_slice %arg4[%add3A_71, %dma_wait3A_91] : memref<4096x1024xf32, #tpu.memory_space<hbm>> -> memref<32x1024xf32, #tpu.memory_space<hbm>>
    tpu.wait_dma2 semaphore(%arg10 : memref<!tpu.dma_semaphore, #tpu.memory_space<semaphore_mem>>) src(%arg6 : memref<32x1024xf32, #tpu.memory_space<vmem>>) dst(%dma_wait3A_92 : memref<32x1024xf32, #tpu.memory_space<hbm>>)
    %dma_wait3A_93 = arith.constant 0 : i32
    %dma_wait3A_94 = tpu.memref_slice %arg4[%add3A_84, %dma_wait3A_93] : memref<4096x1024xf32, #tpu.memory_space<hbm>> -> memref<32x1024xf32, #tpu.memory_space<hbm>>
    %dma_wait3A_95 = arith.constant 0 : i32
    %dma_wait3A_96 = tpu.memref_slice %arg4[%add3A_84, %dma_wait3A_95] : memref<4096x1024xf32, #tpu.memory_space<hbm>> -> memref<32x1024xf32, #tpu.memory_space<hbm>>
    tpu.wait_dma2 semaphore(%arg11 : memref<!tpu.dma_semaphore, #tpu.memory_space<semaphore_mem>>) src(%arg7 : memref<32x1024xf32, #tpu.memory_space<vmem>>) dst(%dma_wait3A_96 : memref<32x1024xf32, #tpu.memory_space<hbm>>)
    return
  }
}

#map = affine_map<(d0, d1) -> (0, 0)>
#map1 = affine_map<(d0, d1) -> (0, 0, 0)>
module attributes {stable_mosaic.version = 14 : i64} {
  func.func @_sc_dispatch(%arg0: i32, %arg1: i32, %arg2: memref<4096x1024xf32, #tpu.memory_space<hbm>>, %arg3: memref<32x4x32xi32, #tpu.memory_space<hbm>>, %arg4: memref<4096x1024xf32, #tpu.memory_space<hbm>>, %arg5: memref<4x32xi32, #tpu.memory_space<vmem>>, %arg6: memref<32x1024xf32, #tpu.memory_space<vmem>>, %arg7: memref<32x1024xf32, #tpu.memory_space<vmem>>, %arg8: memref<!tpu.dma_semaphore, #tpu.memory_space<semaphore_mem>>, %arg9: memref<!tpu.dma_semaphore, #tpu.memory_space<semaphore_mem>>, %arg10: memref<!tpu.dma_semaphore, #tpu.memory_space<semaphore_mem>>, %arg11: memref<!tpu.dma_semaphore, #tpu.memory_space<semaphore_mem>>) attributes {dimension_semantics = [#tpu.dimension_semantics<core_parallel>, #tpu.dimension_semantics<subcore_parallel>], iteration_bounds = array<i64: 2, 16>, scalar_prefetch = 0 : i64, scratch_operands = 7 : i64, tpu.core_type = #tpu.core_type<sc_vector_subcore>, window_params = [{transform_indices = #map}, {transform_indices = #map1}, {transform_indices = #map}]} {
    %mul3A = arith.constant 2 : i32
    %mul3A_0 = arith.muli %arg1, %mul3A : i32
    %add3A = arith.addi %mul3A_0, %arg0 : i32
    %mul3A_1 = arith.constant 128 : i32
    %mul3A_2 = arith.muli %add3A, %mul3A_1 : i32
    "tpu.region"() ({
      %run_scoped3A = tpu.sem_alloc : memref<!tpu.dma_semaphore, #tpu.memory_space<semaphore_mem>>
      %dma_start3A_97 = arith.constant 0 : i32
      %dma_start3A_98 = arith.constant 0 : i32
      %dma_start3A_99 = tpu.memref_slice %arg3[%add3A, %dma_start3A_97, %dma_start3A_98] : memref<32x4x32xi32, #tpu.memory_space<hbm>> -> memref<1x4x32xi32, #tpu.memory_space<hbm>>
      %dma_start3A_100 = tpu.memref_squeeze %dma_start3A_99 : memref<1x4x32xi32, #tpu.memory_space<hbm>> -> memref<4x32xi32, #tpu.memory_space<hbm>>
      %dma_start3A_101 = arith.constant 0 : i32
      %dma_start3A_102 = arith.constant 0 : i32
      %dma_start3A_103 = tpu.memref_slice %arg3[%add3A, %dma_start3A_101, %dma_start3A_102] : memref<32x4x32xi32, #tpu.memory_space<hbm>> -> memref<1x4x32xi32, #tpu.memory_space<hbm>>
      %dma_start3A_104 = tpu.memref_squeeze %dma_start3A_103 : memref<1x4x32xi32, #tpu.memory_space<hbm>> -> memref<4x32xi32, #tpu.memory_space<hbm>>
      tpu.enqueue_dma source(%dma_start3A_104 : memref<4x32xi32, #tpu.memory_space<hbm>>) target(%arg5 : memref<4x32xi32, #tpu.memory_space<vmem>>) target_semaphore(%run_scoped3A : memref<!tpu.dma_semaphore, #tpu.memory_space<semaphore_mem>>)
      %dma_wait3A_105 = arith.constant 0 : i32
      %dma_wait3A_106 = arith.constant 0 : i32
      %dma_wait3A_107 = tpu.memref_slice %arg3[%add3A, %dma_wait3A_105, %dma_wait3A_106] : memref<32x4x32xi32, #tpu.memory_space<hbm>> -> memref<1x4x32xi32, #tpu.memory_space<hbm>>
      %dma_wait3A_108 = tpu.memref_squeeze %dma_wait3A_107 : memref<1x4x32xi32, #tpu.memory_space<hbm>> -> memref<4x32xi32, #tpu.memory_space<hbm>>
      %dma_wait3A_109 = arith.constant 0 : i32
      %dma_wait3A_110 = arith.constant 0 : i32
      %dma_wait3A_111 = tpu.memref_slice %arg3[%add3A, %dma_wait3A_109, %dma_wait3A_110] : memref<32x4x32xi32, #tpu.memory_space<hbm>> -> memref<1x4x32xi32, #tpu.memory_space<hbm>>
      %dma_wait3A_112 = tpu.memref_squeeze %dma_wait3A_111 : memref<1x4x32xi32, #tpu.memory_space<hbm>> -> memref<4x32xi32, #tpu.memory_space<hbm>>
      tpu.wait_dma2 semaphore(%run_scoped3A : memref<!tpu.dma_semaphore, #tpu.memory_space<semaphore_mem>>) src(%dma_wait3A_112 : memref<4x32xi32, #tpu.memory_space<hbm>>) dst(%arg5 : memref<4x32xi32, #tpu.memory_space<vmem>>)
      tpu.yield
    }) : () -> ()
    %add3A_3 = arith.constant 0 : i32
    %add3A_4 = arith.addi %mul3A_2, %add3A_3 : i32
    %dma_start3A = arith.constant 0 : i32
    %dma_start3A_5 = tpu.memref_slice %arg2[%add3A_4, %dma_start3A] : memref<4096x1024xf32, #tpu.memory_space<hbm>> -> memref<32x1024xf32, #tpu.memory_space<hbm>>
    %dma_start3A_6 = arith.constant 0 : i32
    %dma_start3A_7 = tpu.memref_slice %arg2[%add3A_4, %dma_start3A_6] : memref<4096x1024xf32, #tpu.memory_space<hbm>> -> memref<32x1024xf32, #tpu.memory_space<hbm>>
    tpu.enqueue_dma source(%dma_start3A_7 : memref<32x1024xf32, #tpu.memory_space<hbm>>) target(%arg6 : memref<32x1024xf32, #tpu.memory_space<vmem>>) target_semaphore(%arg8 : memref<!tpu.dma_semaphore, #tpu.memory_space<semaphore_mem>>)
    %add3A_8 = arith.constant 32 : i32
    %add3A_9 = arith.addi %mul3A_2, %add3A_8 : i32
    %dma_start3A_10 = arith.constant 0 : i32
    %dma_start3A_11 = tpu.memref_slice %arg2[%add3A_9, %dma_start3A_10] : memref<4096x1024xf32, #tpu.memory_space<hbm>> -> memref<32x1024xf32, #tpu.memory_space<hbm>>
    %dma_start3A_12 = arith.constant 0 : i32
    %dma_start3A_13 = tpu.memref_slice %arg2[%add3A_9, %dma_start3A_12] : memref<4096x1024xf32, #tpu.memory_space<hbm>> -> memref<32x1024xf32, #tpu.memory_space<hbm>>
    tpu.enqueue_dma source(%dma_start3A_13 : memref<32x1024xf32, #tpu.memory_space<hbm>>) target(%arg7 : memref<32x1024xf32, #tpu.memory_space<vmem>>) target_semaphore(%arg9 : memref<!tpu.dma_semaphore, #tpu.memory_space<semaphore_mem>>)
    %dma_wait3A = arith.constant 0 : i32
    %dma_wait3A_14 = tpu.memref_slice %arg2[%add3A_4, %dma_wait3A] : memref<4096x1024xf32, #tpu.memory_space<hbm>> -> memref<32x1024xf32, #tpu.memory_space<hbm>>
    %dma_wait3A_15 = arith.constant 0 : i32
    %dma_wait3A_16 = tpu.memref_slice %arg2[%add3A_4, %dma_wait3A_15] : memref<4096x1024xf32, #tpu.memory_space<hbm>> -> memref<32x1024xf32, #tpu.memory_space<hbm>>
    tpu.wait_dma2 semaphore(%arg8 : memref<!tpu.dma_semaphore, #tpu.memory_space<semaphore_mem>>) src(%dma_wait3A_16 : memref<32x1024xf32, #tpu.memory_space<hbm>>) dst(%arg6 : memref<32x1024xf32, #tpu.memory_space<vmem>>)
    %dma_start3A_17 = arith.constant 0 : i32
    %dma_start3A_18 = arith.constant 0 : i32
    %dma_start3A_19 = tpu.memref_slice %arg5[%dma_start3A_17, %dma_start3A_18] : memref<4x32xi32, #tpu.memory_space<vmem>> -> memref<1x32xi32, #tpu.memory_space<vmem>>
    %dma_start3A_20 = tpu.memref_squeeze %dma_start3A_19 : memref<1x32xi32, #tpu.memory_space<vmem>> -> memref<32xi32, #tpu.memory_space<vmem>>
    %dma_start3A_21 = arith.constant 0 : i32
    %dma_start3A_22 = arith.constant 0 : i32
    %dma_start3A_23 = tpu.memref_slice %arg4[%dma_start3A_21, %dma_start3A_22] : memref<4096x1024xf32, #tpu.memory_space<hbm>> -> memref<4096x1024xf32, #tpu.memory_space<hbm>>
    tpu.enqueue_indirect_dma source(%arg6 : memref<32x1024xf32, #tpu.memory_space<vmem>>) target(%dma_start3A_23 : memref<4096x1024xf32, #tpu.memory_space<hbm>>) offsets(%dma_start3A_20 : memref<32xi32, #tpu.memory_space<vmem>>) semaphore(%arg10 : memref<!tpu.dma_semaphore, #tpu.memory_space<semaphore_mem>>)
    %dma_wait3A_24 = arith.constant 0 : i32
    %dma_wait3A_25 = arith.constant 0 : i32
    %dma_wait3A_26 = tpu.memref_slice %arg5[%dma_wait3A_24, %dma_wait3A_25] : memref<4x32xi32, #tpu.memory_space<vmem>> -> memref<1x32xi32, #tpu.memory_space<vmem>>
    %dma_wait3A_27 = tpu.memref_squeeze %dma_wait3A_26 : memref<1x32xi32, #tpu.memory_space<vmem>> -> memref<32xi32, #tpu.memory_space<vmem>>
    %dma_wait3A_28 = arith.constant 0 : i32
    %dma_wait3A_29 = arith.constant 0 : i32
    %dma_wait3A_30 = tpu.memref_slice %arg4[%dma_wait3A_28, %dma_wait3A_29] : memref<4096x1024xf32, #tpu.memory_space<hbm>> -> memref<4096x1024xf32, #tpu.memory_space<hbm>>
    tpu.wait_indirect_dma semaphore(%arg10 : memref<!tpu.dma_semaphore, #tpu.memory_space<semaphore_mem>>) src(%arg6 : memref<32x1024xf32, #tpu.memory_space<vmem>>) dst(%dma_wait3A_30 : memref<4096x1024xf32, #tpu.memory_space<hbm>>)
    %add3A_31 = arith.constant 64 : i32
    %add3A_32 = arith.addi %mul3A_2, %add3A_31 : i32
    %dma_start3A_33 = arith.constant 0 : i32
    %dma_start3A_34 = tpu.memref_slice %arg2[%add3A_32, %dma_start3A_33] : memref<4096x1024xf32, #tpu.memory_space<hbm>> -> memref<32x1024xf32, #tpu.memory_space<hbm>>
    %dma_start3A_35 = arith.constant 0 : i32
    %dma_start3A_36 = tpu.memref_slice %arg2[%add3A_32, %dma_start3A_35] : memref<4096x1024xf32, #tpu.memory_space<hbm>> -> memref<32x1024xf32, #tpu.memory_space<hbm>>
    tpu.enqueue_dma source(%dma_start3A_36 : memref<32x1024xf32, #tpu.memory_space<hbm>>) target(%arg6 : memref<32x1024xf32, #tpu.memory_space<vmem>>) target_semaphore(%arg8 : memref<!tpu.dma_semaphore, #tpu.memory_space<semaphore_mem>>)
    %dma_wait3A_37 = arith.constant 0 : i32
    %dma_wait3A_38 = tpu.memref_slice %arg2[%add3A_9, %dma_wait3A_37] : memref<4096x1024xf32, #tpu.memory_space<hbm>> -> memref<32x1024xf32, #tpu.memory_space<hbm>>
    %dma_wait3A_39 = arith.constant 0 : i32
    %dma_wait3A_40 = tpu.memref_slice %arg2[%add3A_9, %dma_wait3A_39] : memref<4096x1024xf32, #tpu.memory_space<hbm>> -> memref<32x1024xf32, #tpu.memory_space<hbm>>
    tpu.wait_dma2 semaphore(%arg9 : memref<!tpu.dma_semaphore, #tpu.memory_space<semaphore_mem>>) src(%dma_wait3A_40 : memref<32x1024xf32, #tpu.memory_space<hbm>>) dst(%arg7 : memref<32x1024xf32, #tpu.memory_space<vmem>>)
    %dma_start3A_41 = arith.constant 1 : i32
    %dma_start3A_42 = arith.constant 0 : i32
    %dma_start3A_43 = tpu.memref_slice %arg5[%dma_start3A_41, %dma_start3A_42] : memref<4x32xi32, #tpu.memory_space<vmem>> -> memref<1x32xi32, #tpu.memory_space<vmem>>
    %dma_start3A_44 = tpu.memref_squeeze %dma_start3A_43 : memref<1x32xi32, #tpu.memory_space<vmem>> -> memref<32xi32, #tpu.memory_space<vmem>>
    %dma_start3A_45 = arith.constant 0 : i32
    %dma_start3A_46 = arith.constant 0 : i32
    %dma_start3A_47 = tpu.memref_slice %arg4[%dma_start3A_45, %dma_start3A_46] : memref<4096x1024xf32, #tpu.memory_space<hbm>> -> memref<4096x1024xf32, #tpu.memory_space<hbm>>
    tpu.enqueue_indirect_dma source(%arg7 : memref<32x1024xf32, #tpu.memory_space<vmem>>) target(%dma_start3A_47 : memref<4096x1024xf32, #tpu.memory_space<hbm>>) offsets(%dma_start3A_44 : memref<32xi32, #tpu.memory_space<vmem>>) semaphore(%arg11 : memref<!tpu.dma_semaphore, #tpu.memory_space<semaphore_mem>>)
    %dma_wait3A_48 = arith.constant 1 : i32
    %dma_wait3A_49 = arith.constant 0 : i32
    %dma_wait3A_50 = tpu.memref_slice %arg5[%dma_wait3A_48, %dma_wait3A_49] : memref<4x32xi32, #tpu.memory_space<vmem>> -> memref<1x32xi32, #tpu.memory_space<vmem>>
    %dma_wait3A_51 = tpu.memref_squeeze %dma_wait3A_50 : memref<1x32xi32, #tpu.memory_space<vmem>> -> memref<32xi32, #tpu.memory_space<vmem>>
    %dma_wait3A_52 = arith.constant 0 : i32
    %dma_wait3A_53 = arith.constant 0 : i32
    %dma_wait3A_54 = tpu.memref_slice %arg4[%dma_wait3A_52, %dma_wait3A_53] : memref<4096x1024xf32, #tpu.memory_space<hbm>> -> memref<4096x1024xf32, #tpu.memory_space<hbm>>
    tpu.wait_indirect_dma semaphore(%arg11 : memref<!tpu.dma_semaphore, #tpu.memory_space<semaphore_mem>>) src(%arg7 : memref<32x1024xf32, #tpu.memory_space<vmem>>) dst(%dma_wait3A_54 : memref<4096x1024xf32, #tpu.memory_space<hbm>>)
    %add3A_55 = arith.constant 96 : i32
    %add3A_56 = arith.addi %mul3A_2, %add3A_55 : i32
    %dma_start3A_57 = arith.constant 0 : i32
    %dma_start3A_58 = tpu.memref_slice %arg2[%add3A_56, %dma_start3A_57] : memref<4096x1024xf32, #tpu.memory_space<hbm>> -> memref<32x1024xf32, #tpu.memory_space<hbm>>
    %dma_start3A_59 = arith.constant 0 : i32
    %dma_start3A_60 = tpu.memref_slice %arg2[%add3A_56, %dma_start3A_59] : memref<4096x1024xf32, #tpu.memory_space<hbm>> -> memref<32x1024xf32, #tpu.memory_space<hbm>>
    tpu.enqueue_dma source(%dma_start3A_60 : memref<32x1024xf32, #tpu.memory_space<hbm>>) target(%arg7 : memref<32x1024xf32, #tpu.memory_space<vmem>>) target_semaphore(%arg9 : memref<!tpu.dma_semaphore, #tpu.memory_space<semaphore_mem>>)
    %dma_wait3A_61 = arith.constant 0 : i32
    %dma_wait3A_62 = tpu.memref_slice %arg2[%add3A_32, %dma_wait3A_61] : memref<4096x1024xf32, #tpu.memory_space<hbm>> -> memref<32x1024xf32, #tpu.memory_space<hbm>>
    %dma_wait3A_63 = arith.constant 0 : i32
    %dma_wait3A_64 = tpu.memref_slice %arg2[%add3A_32, %dma_wait3A_63] : memref<4096x1024xf32, #tpu.memory_space<hbm>> -> memref<32x1024xf32, #tpu.memory_space<hbm>>
    tpu.wait_dma2 semaphore(%arg8 : memref<!tpu.dma_semaphore, #tpu.memory_space<semaphore_mem>>) src(%dma_wait3A_64 : memref<32x1024xf32, #tpu.memory_space<hbm>>) dst(%arg6 : memref<32x1024xf32, #tpu.memory_space<vmem>>)
    %dma_start3A_65 = arith.constant 2 : i32
    %dma_start3A_66 = arith.constant 0 : i32
    %dma_start3A_67 = tpu.memref_slice %arg5[%dma_start3A_65, %dma_start3A_66] : memref<4x32xi32, #tpu.memory_space<vmem>> -> memref<1x32xi32, #tpu.memory_space<vmem>>
    %dma_start3A_68 = tpu.memref_squeeze %dma_start3A_67 : memref<1x32xi32, #tpu.memory_space<vmem>> -> memref<32xi32, #tpu.memory_space<vmem>>
    %dma_start3A_69 = arith.constant 0 : i32
    %dma_start3A_70 = arith.constant 0 : i32
    %dma_start3A_71 = tpu.memref_slice %arg4[%dma_start3A_69, %dma_start3A_70] : memref<4096x1024xf32, #tpu.memory_space<hbm>> -> memref<4096x1024xf32, #tpu.memory_space<hbm>>
    tpu.enqueue_indirect_dma source(%arg6 : memref<32x1024xf32, #tpu.memory_space<vmem>>) target(%dma_start3A_71 : memref<4096x1024xf32, #tpu.memory_space<hbm>>) offsets(%dma_start3A_68 : memref<32xi32, #tpu.memory_space<vmem>>) semaphore(%arg10 : memref<!tpu.dma_semaphore, #tpu.memory_space<semaphore_mem>>)
    %dma_wait3A_72 = arith.constant 0 : i32
    %dma_wait3A_73 = tpu.memref_slice %arg2[%add3A_56, %dma_wait3A_72] : memref<4096x1024xf32, #tpu.memory_space<hbm>> -> memref<32x1024xf32, #tpu.memory_space<hbm>>
    %dma_wait3A_74 = arith.constant 0 : i32
    %dma_wait3A_75 = tpu.memref_slice %arg2[%add3A_56, %dma_wait3A_74] : memref<4096x1024xf32, #tpu.memory_space<hbm>> -> memref<32x1024xf32, #tpu.memory_space<hbm>>
    tpu.wait_dma2 semaphore(%arg9 : memref<!tpu.dma_semaphore, #tpu.memory_space<semaphore_mem>>) src(%dma_wait3A_75 : memref<32x1024xf32, #tpu.memory_space<hbm>>) dst(%arg7 : memref<32x1024xf32, #tpu.memory_space<vmem>>)
    %dma_start3A_76 = arith.constant 3 : i32
    %dma_start3A_77 = arith.constant 0 : i32
    %dma_start3A_78 = tpu.memref_slice %arg5[%dma_start3A_76, %dma_start3A_77] : memref<4x32xi32, #tpu.memory_space<vmem>> -> memref<1x32xi32, #tpu.memory_space<vmem>>
    %dma_start3A_79 = tpu.memref_squeeze %dma_start3A_78 : memref<1x32xi32, #tpu.memory_space<vmem>> -> memref<32xi32, #tpu.memory_space<vmem>>
    %dma_start3A_80 = arith.constant 0 : i32
    %dma_start3A_81 = arith.constant 0 : i32
    %dma_start3A_82 = tpu.memref_slice %arg4[%dma_start3A_80, %dma_start3A_81] : memref<4096x1024xf32, #tpu.memory_space<hbm>> -> memref<4096x1024xf32, #tpu.memory_space<hbm>>
    tpu.enqueue_indirect_dma source(%arg7 : memref<32x1024xf32, #tpu.memory_space<vmem>>) target(%dma_start3A_82 : memref<4096x1024xf32, #tpu.memory_space<hbm>>) offsets(%dma_start3A_79 : memref<32xi32, #tpu.memory_space<vmem>>) semaphore(%arg11 : memref<!tpu.dma_semaphore, #tpu.memory_space<semaphore_mem>>)
    %dma_wait3A_83 = arith.constant 2 : i32
    %dma_wait3A_84 = arith.constant 0 : i32
    %dma_wait3A_85 = tpu.memref_slice %arg5[%dma_wait3A_83, %dma_wait3A_84] : memref<4x32xi32, #tpu.memory_space<vmem>> -> memref<1x32xi32, #tpu.memory_space<vmem>>
    %dma_wait3A_86 = tpu.memref_squeeze %dma_wait3A_85 : memref<1x32xi32, #tpu.memory_space<vmem>> -> memref<32xi32, #tpu.memory_space<vmem>>
    %dma_wait3A_87 = arith.constant 0 : i32
    %dma_wait3A_88 = arith.constant 0 : i32
    %dma_wait3A_89 = tpu.memref_slice %arg4[%dma_wait3A_87, %dma_wait3A_88] : memref<4096x1024xf32, #tpu.memory_space<hbm>> -> memref<4096x1024xf32, #tpu.memory_space<hbm>>
    tpu.wait_indirect_dma semaphore(%arg10 : memref<!tpu.dma_semaphore, #tpu.memory_space<semaphore_mem>>) src(%arg6 : memref<32x1024xf32, #tpu.memory_space<vmem>>) dst(%dma_wait3A_89 : memref<4096x1024xf32, #tpu.memory_space<hbm>>)
    %dma_wait3A_90 = arith.constant 3 : i32
    %dma_wait3A_91 = arith.constant 0 : i32
    %dma_wait3A_92 = tpu.memref_slice %arg5[%dma_wait3A_90, %dma_wait3A_91] : memref<4x32xi32, #tpu.memory_space<vmem>> -> memref<1x32xi32, #tpu.memory_space<vmem>>
    %dma_wait3A_93 = tpu.memref_squeeze %dma_wait3A_92 : memref<1x32xi32, #tpu.memory_space<vmem>> -> memref<32xi32, #tpu.memory_space<vmem>>
    %dma_wait3A_94 = arith.constant 0 : i32
    %dma_wait3A_95 = arith.constant 0 : i32
    %dma_wait3A_96 = tpu.memref_slice %arg4[%dma_wait3A_94, %dma_wait3A_95] : memref<4096x1024xf32, #tpu.memory_space<hbm>> -> memref<4096x1024xf32, #tpu.memory_space<hbm>>
    tpu.wait_indirect_dma semaphore(%arg11 : memref<!tpu.dma_semaphore, #tpu.memory_space<semaphore_mem>>) src(%arg7 : memref<32x1024xf32, #tpu.memory_space<vmem>>) dst(%dma_wait3A_96 : memref<4096x1024xf32, #tpu.memory_space<hbm>>)
    return
  }
}

module attributes {stable_mosaic.version = 14 : i64} {
  func.func @_mm_body(%arg0: i32, %arg1: memref<15xi32, #tpu.memory_space<smem>>, %arg2: memref<15xi32, #tpu.memory_space<smem>>, %arg3: memref<15xi32, #tpu.memory_space<smem>>, %arg4: memref<15xi32, #tpu.memory_space<smem>>, %arg5: memref<512x1024xf32, #tpu.memory_space<vmem>>, %arg6: memref<1x1024x1024xf32, #tpu.memory_space<vmem>>, %arg7: memref<512x1024xf32, #tpu.memory_space<vmem>>) attributes {dimension_semantics = [#tpu.dimension_semantics<arbitrary>], iteration_bounds = array<i64: 15>, scalar_prefetch = 4 : i64, scratch_operands = 0 : i64, tpu.core_type = #tpu.core_type<tc>, window_params = [{transform_indices = @transform_0, window_bounds = array<i64: 512, 1024>}, {transform_indices = @transform_1, window_bounds = array<i64: 1, 1024, 1024>}, {transform_indices = @transform_2, window_bounds = array<i64: 512, 1024>}]} {
    %sub3A = arith.constant 1 : i32
    %sub3A_0 = arith.subi %arg0, %sub3A : i32
    %max3A = arith.constant 0 : i32
    %max3A_1 = arith.maxsi %sub3A_0, %max3A : i32
    %iota3A = tpu.iota {dimensions = array<i32: 0>} : vector<512x1xi32>
    %get3A = arith.index_cast %arg0 : i32 to index
    %get3A_2 = memref.load %arg3[%get3A] : memref<15xi32, #tpu.memory_space<smem>>
    %ge3A = vector.broadcast %get3A_2 : i32 to vector<512x1xi32>
    %ge3A_3 = arith.cmpi sge, %iota3A, %ge3A : vector<512x1xi32>
    %get3A_4 = arith.index_cast %arg0 : i32 to index
    %get3A_5 = memref.load %arg4[%get3A_4] : memref<15xi32, #tpu.memory_space<smem>>
    %lt3A = vector.broadcast %get3A_5 : i32 to vector<512x1xi32>
    %lt3A_6 = arith.cmpi slt, %iota3A, %lt3A : vector<512x1xi32>
    %and3A = arith.andi %ge3A_3, %lt3A_6 : vector<512x1xi1>
    %convert_element_type3A = arith.extui %and3A : vector<512x1xi1> to vector<512x1xi32>
    %convert_element_type3A_7 = arith.sitofp %convert_element_type3A : vector<512x1xi32> to vector<512x1xf32>
    %convert_element_type3A_8 = arith.truncf %convert_element_type3A_7 : vector<512x1xf32> to vector<512x1xbf16>
    %get3A_9 = arith.constant 0 : index
    %get3A_10 = arith.constant 0 : index
    %get3A_11 = vector.load %arg5[%get3A_9, %get3A_10] : memref<512x1024xf32, #tpu.memory_space<vmem>>, vector<512x1024xf32>
    %convert_element_type3A_12 = arith.truncf %get3A_11 : vector<512x1024xf32> to vector<512x1024xbf16>
    %mul3A = vector.broadcast %convert_element_type3A_8 : vector<512x1xbf16> to vector<512x1024xbf16>
    %mul3A_13 = arith.mulf %convert_element_type3A_12, %mul3A : vector<512x1024xbf16>
    %get3A_14 = arith.constant 0 : index
    %get3A_15 = arith.constant 0 : index
    %get3A_16 = arith.constant 0 : index
    %get3A_17 = vector.load %arg6[%get3A_14, %get3A_15, %get3A_16] : memref<1x1024x1024xf32, #tpu.memory_space<vmem>>, vector<1x1024x1024xf32>
    %get3A_18 = vector.shape_cast %get3A_17 : vector<1x1024x1024xf32> to vector<1024x1024xf32>
    %convert_element_type3A_19 = arith.truncf %get3A_18 : vector<1024x1024xf32> to vector<1024x1024xbf16>
    %dot_general3A = arith.constant dense<0.000000e+00> : vector<512x1024xf32>
    %dot_general3A_20 = tpu.matmul %mul3A_13, %convert_element_type3A_19, %dot_general3A {dimension_numbers = #tpu.dot_dimension_numbers<[1], [1], [0], [0], [0, 0, 1, 0], [], []>, transpose_lhs_hint = false} : vector<512x1024xbf16>, vector<1024x1024xbf16>, vector<512x1024xf32> -> vector<512x1024xf32>
    %eq3A = arith.constant 0 : i32
    %eq3A_21 = arith.cmpi eq, %arg0, %eq3A : i32
    %get3A_22 = arith.index_cast %arg0 : i32 to index
    %get3A_23 = memref.load %arg2[%get3A_22] : memref<15xi32, #tpu.memory_space<smem>>
    %get3A_24 = arith.index_cast %max3A_1 : i32 to index
    %get3A_25 = memref.load %arg2[%get3A_24] : memref<15xi32, #tpu.memory_space<smem>>
    %ne3A = arith.cmpi ne, %get3A_23, %get3A_25 : i32
    %or3A = arith.ori %eq3A_21, %ne3A : i1
    %convert_element_type3A_26 = arith.extui %or3A : i1 to i32
    %cond3A = arith.constant 0 : i32
    %cond3A_27 = arith.cmpi ne, %convert_element_type3A_26, %cond3A : i32
    scf.if %cond3A_27 {
      %swap3A = arith.constant 0 : index
      %swap3A_32 = arith.constant 0 : index
      %swap3A_33 = vector.load %arg7[%swap3A, %swap3A_32] : memref<512x1024xf32, #tpu.memory_space<vmem>>, vector<512x1024xf32>
      tpu.vector_store %arg7[%swap3A, %swap3A_32], %dot_general3A_20 {strides = array<i32>} : memref<512x1024xf32, #tpu.memory_space<vmem>>, vector<512x1024xf32>,
    } else {
    }
    %not3A = arith.constant true
    %not3A_28 = arith.xori %or3A, %not3A : i1
    %convert_element_type3A_29 = arith.extui %not3A_28 : i1 to i32
    %cond3A_30 = arith.constant 0 : i32
    %cond3A_31 = arith.cmpi ne, %convert_element_type3A_29, %cond3A_30 : i32
    scf.if %cond3A_31 {
      %get3A_32 = arith.constant 0 : index
      %get3A_33 = arith.constant 0 : index
      %get3A_34 = vector.load %arg7[%get3A_32, %get3A_33] : memref<512x1024xf32, #tpu.memory_space<vmem>>, vector<512x1024xf32>
      %add3A = arith.addf %get3A_34, %dot_general3A_20 : vector<512x1024xf32>
      %swap3A = arith.constant 0 : index
      %swap3A_35 = arith.constant 0 : index
      %swap3A_36 = vector.load %arg7[%swap3A, %swap3A_35] : memref<512x1024xf32, #tpu.memory_space<vmem>>, vector<512x1024xf32>
      tpu.vector_store %arg7[%swap3A, %swap3A_35], %add3A {strides = array<i32>} : memref<512x1024xf32, #tpu.memory_space<vmem>>, vector<512x1024xf32>,
    } else {
    }
    return
  }
  func.func @transform_0(%arg0: i32, %arg1: memref<15xi32, #tpu.memory_space<smem>>, %arg2: memref<15xi32, #tpu.memory_space<smem>>, %arg3: memref<15xi32, #tpu.memory_space<smem>>, %arg4: memref<15xi32, #tpu.memory_space<smem>>) -> (i32, i32) {
    %get3A = arith.index_cast %arg0 : i32 to index
    %get3A_0 = memref.load %arg2[%get3A] : memref<15xi32, #tpu.memory_space<smem>>
    %c0_i32 = arith.constant 0 : i32
    %c0_i32_1 = arith.constant 0 : i32
    return %get3A_0, %c0_i32 : i32, i32
  }
  func.func @transform_1(%arg0: i32, %arg1: memref<15xi32, #tpu.memory_space<smem>>, %arg2: memref<15xi32, #tpu.memory_space<smem>>, %arg3: memref<15xi32, #tpu.memory_space<smem>>, %arg4: memref<15xi32, #tpu.memory_space<smem>>) -> (i32, i32, i32) {
    %get3A = arith.index_cast %arg0 : i32 to index
    %get3A_0 = memref.load %arg1[%get3A] : memref<15xi32, #tpu.memory_space<smem>>
    %c0_i32 = arith.constant 0 : i32
    %c0_i32_1 = arith.constant 0 : i32
    %c0_i32_2 = arith.constant 0 : i32
    return %get3A_0, %c0_i32, %c0_i32_1 : i32, i32, i32
  }
  func.func @transform_2(%arg0: i32, %arg1: memref<15xi32, #tpu.memory_space<smem>>, %arg2: memref<15xi32, #tpu.memory_space<smem>>, %arg3: memref<15xi32, #tpu.memory_space<smem>>, %arg4: memref<15xi32, #tpu.memory_space<smem>>) -> (i32, i32) {
    %get3A = arith.index_cast %arg0 : i32 to index
    %get3A_0 = memref.load %arg2[%get3A] : memref<15xi32, #tpu.memory_space<smem>>
    %c0_i32 = arith.constant 0 : i32
    %c0_i32_1 = arith.constant 0 : i32
    return %get3A_0, %c0_i32 : i32, i32
  }
}

</mosaic_0001>

<sc_bundles>
// kernel: kernel.5.cloned.1.call-start
scs
__scs_entry_jumppad:
0x0: {  	(pc) =	sbr.rel $0x88, $3  }
0x1: {  	(tag) =	ssettag $0x0;
	lr =	simm.s32 $0x1  }
0x2: {  	[smem:$0x3F9E] =	sst lr;
	_ =	strace $0xD0000000  }
0x3: {  	_ = 	snop  }
0x4: {  	_ = 	snop  }
0x5: {  	_ = 	snop  }
0x6: {  	_ = 	snop  }
0x7: {  	_ = 	snop  }
__scs_overlays_trampoline_lowered:
0x8: {  	[smem:$0x3FAD] =	sst s0  }
0x9: {  	[smem:$0x3FAE] =	sst s1  }
0xa: {  	[smem:$0x3FAF] =	sst s2  }
0xb: {  	[smem:$0x3FB0] =	sst s3  }
0xc: {  	[smem:$0x3FB1] =	sst s4  }
0xd: {  	[smem:$0x3FB2] =	sst s5  }
0xe: {  	[smem:$0x3FB3] =	sst s6  }
0xf: {  	[smem:$0x3FB4] =	sst s7  }
0x10: {  	[smem:$0x3FB5] =	sst s8  }
0x11: {  	[smem:$0x3FB6] =	sst s9;
	s0 =	simm.s32 @!p0 $0x0  }
0x12: {  	s1 =	sld [smem:$0x3F9C];
	s0 =	simm.s32 @p0 $0x1  }
0x13: {  	[smem:$0x3FB7] =	sst s0;
	s0 =	simm.s32 @!p1 $0x0  }
0x14: {  	s2 =	sld [smem:$0x3F9B];
	s0 =	simm.s32 @p1 $0x1  }
0x15: {  	[smem:$0x3FB8] =	sst s0;
	s0 =	simm.s32 @!p2 $0x0  }
0x16: {  	s3 =	sld [smem:$0x3FDB];
	s0 =	simm.s32 @p2 $0x1  }
0x17: {  	s4 =	simm.s32 $0x1BF5;
	[smem:$0x3FBA] =	sst s0  }
0x18: {  	s0 =	sld [smem:$0x3F9D];
	_ =	swait.ge [sflag:s4], $0x0  }
0x19: {  	s7 =	sld [smem:$0x3F9E]  }
0x1a: {  	s8 =	sadd.s32 $0xFFFFE003, lr  }
0x1b: {  	s9 =	sadd.s32 $0xFFFFFEF7, lr;
	s5 =	simm.s32 $0xFFFFFFFF;
	p2 =	slt.u32 s8, $0xFFFFF086  }
0x1c: {  	p1 =	slt.u32 s9, $0xF7A;
	s5 =	simm.s32 @!p2 $0x0  }
0x1d: {  	s5 =	simm.s32 @p1 $0x1;
	p0 =	seq.s32 s7, s2  }
0x1e: {  	s7 =	smul.u32 @!p0 $0xF7A, s2;
	p2 =	seq.s32 @!p0 s5, $0x0  }
0x1f: {  	s9 =	smul.u32 $0xF7A, s1;
	s8 =	simm.s32 @!p0 $0x1BF5;
	p2 =	por !p2, p0  }
0x20: {  	[sflag:s8] =	ssyncset.s32 @!p0 $0xFFFFF086;
	s6 =	sadd.s32 @!p0 s3, s7;
	s7 =	simm.s32 @!p0 $0x108  }
0x21: {  	s3 =	sadd.s32 s3, s9;
	s6 =	sadd.s32 @!p0 $0x88, s6;
	s7 =	simm.s32 @p2 $0x1082  }
0x22: {  	[simem:s7], [sflag:s8] =	dma.local @!p0 [hbm:s6], $0xF7A  }
0x23: {  	s9 =	sor.u32 $0xD0000000, s2;
	s6 =	simm.s32 $0x108;
	_ =	swait.ge @!p0 [sflag:s8], $0x0  }
0x24: {  	s3 =	sadd.s32 $0x88, s3;
	s6 =	simm.s32 @!p1 $0x1082;
	[sflag:s4] =	ssyncset.s32 $0xFFFFF086  }
0x25: {  	[simem:s6], [sflag:s4] =	dma.local [hbm:s3], $0xF7A  }
0x26: {  	[smem:$0x3F9E] =	sst s1;
	(tag) =	ssettag s2;
	_ =	strace s9  }
0x27: {  	s1 =	sld [smem:$0x3FAE]  }
0x28: {  	s2 =	sld [smem:$0x3FAF]  }
0x29: {  	s4 =	sld [smem:$0x3FB1]  }
0x2a: {  	p0 =	seq.s32 s5, $0x0;
	s5 =	sld [smem:$0x3FB2]  }
0x2b: {  	s6 =	sld [smem:$0x3FB3]  }
0x2c: {  	s7 =	sld [smem:$0x3FB4]  }
0x2d: {  	s3 =	simm.s32 $0x108;
	s8 =	sld [smem:$0x3FB5]  }
0x2e: {  	s3 =	simm.s32 @!p0 $0x1082;
	s9 =	sld [smem:$0x3FB6]  }
0x2f: {  	lr =	sadd.s32 s0, s3;
	s0 =	sld [smem:$0x3FAD]  }
0x30: {  	s3 =	sld [smem:$0x3FB0]  }
0x31: {  	[smem:$0x3FB9] =	sst s10  }
0x32: {  	s10 =	sld [smem:$0x3FB7];
	_ =	sdelay $0x3  }
0x33: {  	p0 =	seq.s32 s10, $0x1;
	s10 =	sld [smem:$0x3FB9];
	_ =	sdelay $0x3  }
0x34: {  	[smem:$0x3FB9] =	sst s10  }
0x35: {  	s10 =	sld [smem:$0x3FB8];
	_ =	sdelay $0x3  }
0x36: {  	p1 =	seq.s32 s10, $0x1;
	s10 =	sld [smem:$0x3FB9];
	_ =	sdelay $0x3  }
0x37: {  	[smem:$0x3FB9] =	sst s10  }
0x38: {  	s10 =	sld [smem:$0x3FBA]  }
0x39: {  	_ = 	snop;
	(pc) =	sbr.ind lr, $3  }
0x3a: {  	_ = 	snop  }
0x3b: {  	_ = 	snop  }
0x3c: {  	p2 =	seq.s32 s10, $0x1;
	s10 =	sld [smem:$0x3FB9]  }
0x3d: {  	_ =	shalt  }
0x3e: {  	_ =	shalt  }
0x3f: {  	_ =	shalt  }
0x40: {  	_ =	shalt  }
0x41: {  	_ =	shalt  }
0x42: {  	_ =	shalt  }
0x43: {  	_ =	shalt  }
0x44: {  	_ =	shalt  }
0x45: {  	_ =	shalt  }
0x46: {  	_ =	shalt  }
0x47: {  	_ =	shalt  }
0x48: {  	_ =	shalt  }
0x49: {  	_ =	shalt  }
0x4a: {  	_ =	shalt  }
0x4b: {  	_ =	shalt  }
0x4c: {  	_ =	shalt  }
0x4d: {  	_ =	shalt  }
0x4e: {  	_ =	shalt  }
0x4f: {  	_ =	shalt  }
0x50: {  	_ =	shalt  }
0x51: {  	_ =	shalt  }
0x52: {  	_ =	shalt  }
0x53: {  	_ =	shalt  }
0x54: {  	_ =	shalt  }
0x55: {  	_ =	shalt  }
0x56: {  	_ =	shalt  }
0x57: {  	_ =	shalt  }
0x58: {  	_ =	shalt  }
0x59: {  	_ =	shalt  }
0x5a: {  	_ =	shalt  }
0x5b: {  	_ =	shalt  }
0x5c: {  	_ =	shalt  }
0x5d: {  	_ =	shalt  }
0x5e: {  	_ =	shalt  }
0x5f: {  	_ =	shalt  }
0x60: {  	_ =	shalt  }
0x61: {  	_ =	shalt  }
0x62: {  	_ =	shalt  }
0x63: {  	_ =	shalt  }
0x64: {  	_ =	shalt  }
0x65: {  	_ =	shalt  }
0x66: {  	_ =	shalt  }
0x67: {  	_ =	shalt  }
0x68: {  	_ =	shalt  }
0x69: {  	_ =	shalt  }
0x6a: {  	_ =	shalt  }
0x6b: {  	_ =	shalt  }
0x6c: {  	_ =	shalt  }
0x6d: {  	_ =	shalt  }
0x6e: {  	_ =	shalt  }
0x6f: {  	_ =	shalt  }
0x70: {  	_ =	shalt  }
0x71: {  	_ =	shalt  }
0x72: {  	_ =	shalt  }
0x73: {  	_ =	shalt  }
0x74: {  	_ =	shalt  }
0x75: {  	_ =	shalt  }
0x76: {  	_ =	shalt  }
0x77: {  	_ =	shalt  }
0x78: {  	_ =	shalt  }
0x79: {  	_ =	shalt  }
0x7a: {  	_ =	shalt  }
0x7b: {  	_ =	shalt  }
0x7c: {  	_ =	shalt  }
0x7d: {  	_ =	shalt  }
0x7e: {  	_ =	shalt  }
0x7f: {  	_ =	shalt  }
0x80: {  	_ =	shalt  }
0x81: {  	_ =	shalt  }
0x82: {  	_ =	shalt  }
0x83: {  	_ =	shalt  }
0x84: {  	_ =	shalt  }
0x85: {  	_ =	shalt  }
0x86: {  	_ =	shalt  }
0x87: {  	_ =	shalt  }
.Lfunc_end0:
.L_simem_size_0:
called_computation_lowered:
.L_overlay_start_0:
0x88: {  	s2 =	sld [smem:$0x3FD9]  }
0x89: {  	s3 =	sld [smem:$0x3FFE];
	_ =	sdelay $0x1  }
0x8a: {  	s1 =	srdreg.scid  }
0x8b: {  	s0 =	sand.u32 $0x1, s1  }
0x8c: {  	s17 =	sshll.u32 s0, $0xA;
	s2 =	sadd.s32 s3, s2  }
0x8d: {  	s2 =	sadd.s32 s2, s17  }
0x8e: {  	[smem:$0x3FC5] =	sst s2  }
0x8f: {  	_ = 	snop  }
0x90: {  	s2 =	sld [smem:$0x3FC9]  }
0x91: {  	s18 =	sld [smem:$0x3FD0];
	(tm) =	ssettm $0x1  }
0x92: {  	s4 =	sld [smem:$0x3FFB];
	_ =	sdelay $0x3  }
0x93: {  	_ =	strace s4  }
0x94: {  	s4 =	sld [smem:$0x3FFC];
	_ =	sdelay $0x3  }
0x95: {  	_ =	strace s4  }
0x96: {  	s4 =	sld [smem:$0x3FFD];
	_ =	sdelay $0x3  }
0x97: {  	_ =	strace s4  }
0x98: {  	_ =	strace $0x8FFFFFFF  }
0x99: {  	s19 =	sld [smem:$0x3FDB];
	_ =	sdelay $0x1  }
0x9a: {  	s5 =	simm.s32 $_scs_section_size  }
0x9b: {  	s6 =	simm.s32 $_size__tile_overlayer_lowered;
	s7 =	simm.s32 $_tile_overlayer_lowered  }
0x9c: {  	s22 =	simm.s32 $0x1BFF;
	s21 =	sshll.u32 s7, $0x1;
	s4 =	sadd.s32 s5, s19  }
0x9d: {  	s8 =	simm.s32 $0x0;
	s20 =	sshll.u32 s6, $0x1;
	s6 =	sadd.s32 s21, s4  }
0x9e: {  	[timem:s8], [sflag:s22] =	dma.local [hbm:s6], s20  }
0x9f: {  	_ =	swait.ge [sflag:s22], s20  }
0xa0: {  	s5 =	ssub.s32 $0x0, s20;
	[sflag:s22] =	ssyncset.done $0x0  }
0xa1: {  	[sflag:s22] =	ssyncadd.s32 s5;
	_ =	sdelay $0x1  }
0xa2: {  	s23 =	simm.s32 $0x1B8B  }
0xa3: {  	_ =	swait.ge [sflag:s23], $0x1  }
0xa4: {  	[sflag:s23] =	ssyncset.done $0x0  }
0xa5: {  	s25 =	simm.s32 $0x1B8E;
	s24 =	sld [smem:$0x3FFE];
	[sflag:s23] =	ssyncadd.s32 $0xFFFFFFFF  }
0xa6: {  	s26 =	simm.s32 $execute0_lowered;
	[smem:$0x3FD2] =	sst s25  }
0xa7: {  	s6 =	sshll.u32 s26, $0x1;
	_ =	strace $0x80000046;
	[dreg:$0x1] =	wrdreg $0xFFFFFFFF  }
0xa8: {  	s28 =	simm.s32 $_size_execute0_lowered;
	s4 =	sadd.s32 s4, s6;
	[dreg:$0x0] =	wrdreg $0x0  }
0xa9: {  	s6 =	sshll.u32 s28, $0x1;
	[dreg:$0x2] =	wrdreg s4  }
0xaa: {  	[dreg:$0x3] =	wrdreg s6  }
0xab: {  	[dreg:$0x4] =	wrdreg $0xC0  }
0xac: {  	_ =	task [dreg:s8], $0x5FFFF  }
0xad: {  	[dreg:$0x1] =	wrdreg $0xFFFFFFFF  }
0xae: {  	[dreg:$0x0] =	wrdreg $0x60  }
0xaf: {  	[dreg:$0x2] =	wrdreg s2  }
0xb0: {  	[dreg:$0x3] =	wrdreg s24  }
0xb1: {  	[dreg:$0x4] =	wrdreg s18  }
0xb2: {  	[dreg:$0x5] =	wrdreg $0x9  }
0xb3: {  	_ =	task.clear_ibuf [dreg:s8], $0x6FFFF;
	_ =	strace $0x90000046  }
0xb4: {  	s29 =	simm.s32 $0x9;
	_ =	strace $0x80000048  }
0xb5: {  	_ =	swait.ge [sflag:s29], $0x1  }
0xb6: {  	[sflag:s29] =	ssyncadd.s32 $0xFFFFFFFF  }
0xb7: {  	_ =	strace $0x90000048  }
0xb8: {  	_ =	sfence  }
0xb9: {  	s30 =	sld [smem:$0x0];
	_ =	sdelay $0x2  }
0xba: {  	s31 =	sshll.u32 s1, $0xD;
	s1 =	sshrl.u32 s1, $0x2  }
0xbb: {  	s3 =	sand.u32 $0x4000, s31;
	s1 =	sadd.s32 s1, s30  }
0xbc: {  	s0 =	sor.u32 s3, s0;
	s1 =	sshll.u32 s1, $0x11  }
0xbd: {  	s0 =	sor.u32 s1, s0  }
0xbe: {  	s0 =	sadd.s32 $0x8F2B, s0  }
0xbf: {  	[sflag:s0] =	ssyncadd.remote.s32 $0x1  }
0xc0: {  	_ =	sfence.sel $0xFFFF  }
0xc1: {  	[dreg:$0x0] =	wrdreg $0xFFFFFFFF;
	(pc) =	sbr.abs _section_cstart, $3  }
0xc2: {  	[dreg:$0x1] =	wrdreg $0xFFFFFFFF  }
0xc3: {  	_ =	task.clear_ibuf [dreg:s8], $0x2FFFF;
	_ =	strace $0x9FFFFFFF  }
0xc4: {  	(tm) =	ssettm $0x7FFFFFFF  }
0xc5: {  	_ =	shalt  }
tec
execute0_lowered:
.L_overlay_start_1:
0x0: {  	(tag) =	ssettag $0x1  }
0x1: {  	s0 =	rddreg [dreg:$0x0]  }
0x2: {  	s1 =	rddreg [dreg:$0x1]  }
0x3: {  	s2 =	rddreg [dreg:$0x2]  }
0x4: {  	s4 =	srdreg.scid;
	s5 =	stileid.u32;
	s3 =	simm.s32 $0x0  }
0x5: {  	s12 =	simm.s32 $0x8200;
	s29 =	simm.s32 $0x1;
	s28 =	simm.s32 $0x1200  }
0x6: {  	s31 =	simm.s32 $0x1A00;
	s30 =	simm.s32 $0x3;
	s22 =	simm.s32 $0x8A00  }
0x7: {  	s9 =	simm.s32 $0x9A00;
	s10 =	simm.s32 $0xA200;
	s13 =	simm.s32 $0xBA00  }
0x8: {  	s14 =	simm.s32 $0xC200;
	s15 =	simm.s32 $0xCA00;
	s16 =	simm.s32 $0xD200  }
0x9: {  	s17 =	simm.s32 $0xDA00;
	s18 =	simm.s32 $0xE200;
	s19 =	simm.s32 $0xEA00  }
0xa: {  	s20 =	simm.s32 $0xF200;
	s21 =	simm.s32 $0xFA00;
	s4 =	sand.u32 $0x1, s4  }
0xb: {  	s5 =	sshll.u32 s5, $0x1;
	[smem:$0x7FF] =	sst s3;
	s7 =	sadd.s32 $0x300, s2  }
0xc: {  	s5 =	sor.u32 s4, s5;
	_ =	strace $0x80000047;
	s4 =	ssub.s32 $0x2, s4  }
0xd: {  	s6 =	sshll.u32 s5, $0x6;
	s5 =	sshll.u32 s5, $0xE;
	s23 =	sshrl.u32 s4, $0x1  }
0xe: {  	s1 =	sadd.s32 s1, s6;
	s8 =	sadd.s32 s0, s5;
	s0 =	ssub.s32 s4, s23  }
0xf: {  	s5 =	sadd.s32 $0x100, s2;
	s6 =	sadd.s32 $0x200, s2;
	[dreg:$0x4] =	wrdreg s1  }
0x10: {  	s23 =	simm.s32 $0x9200;
	s24 =	sadd.s32 $0x1000, s8;
	[dreg:$0x8] =	wrdreg s8  }
0x11: {  	v2 =	vlaneseq.u32;
	s4 =	simm.s32 $0xB200;
	s25 =	sadd.s32 $0x2000, s8;
	[dreg:$0x5] =	wrdreg s24  }
0x12: {  	vm0 =	vmmov $0xffff;
	v1 =	vshrl.u32 v2, $0x3;
	s26 =	sadd.s32 $0x3000, s8;
	s8 =	smax.u32 s0, $0x1;
	[dreg:$0x6] =	wrdreg s25  }
0x13: {  	v0 =	vand.u32 $0x7, v2;
	v2 =	vor.u32 $0x8, v2;
	v1 =	vmul.u32 $0x8, v1;
	s1 =	simm.s32 $0xAA00;
	[dreg:$0x7] =	wrdreg s26;
	s24 =	simm.s32 $0x4  }
.LBB2_1:
0x14: {  	s25 =	rddreg [dreg:$0x4];
	s0 =	simm.s32 $0x5  }
0x15: {  	[tilespmem:s3], [sflag:$0x5] =	stream.linear.gather [hbm4b:s25+s3], $0x200, $0x38;
	[tilespmem:$0x10200] =	vst v63  }
0x16: {  	_ =	swait.ge [sflag:s0], $0x200  }
0x17: {  	[sflag:s0] =	ssyncset.done $0x0  }
0x18: {  	s11 =	simm.s32 $0x200;
	s26 =	rddreg [dreg:$0x8];
	[sflag:s0] =	ssyncadd.s32 $0xFFFFFE00  }
0x19: {  	[tilespmem:s11], [sflag:$0x1] =	stream.linear.gather [hbm4b:s26+s3], $0x8000, $0x38;
	[tilespmem:$0x10200] =	vst v63  }
0x1a: {  	s0 =	rddreg [dreg:$0x5]  }
0x1b: {  	[tilespmem:s12], [sflag:$0x2] =	stream.linear.gather [hbm4b:s0+s3], $0x8000, $0x38;
	[tilespmem:$0x10200] =	vst v63  }
0x1c: {  	_ =	swait.ge [sflag:s29], $0x8000  }
0x1d: {  	[sflag:s29] =	ssyncset.done $0x0  }
0x1e: {  	[sflag:s29] =	ssyncadd.s32 $0xFFFF8000  }
0x1f: {  	v3 =	vld [tilespmem:$0x0];
	_ =	sdelay $0x4  }
0x20: {  	v4 =	vshll.u32 v3, $0x3  }
0x21: {  	v3 =	vand.u32 $0x7, v3;
	v4 =	vand.u32 $0xFFFFFFC0, v4  }
0x22: {  	v3 =	vor.u32 v3, v4  }
0x23: {  	v4 =	vperm.xlane v3, v0;
	_ =	sdelay $0x1  }
0x24: {  	v4 =	vadd.s32 v1, v4;
	_ =	sdelay $0x4  }
0x25: {  	[hbm4b:s2+s3] =	stream.indirect_vreg.scatter [tilespmem:s11], [sflag:$0x3], $0x80, v4, vm0, $0xb8;
	[tilespmem:$0x10200] =	vst v63  }
0x26: {  	s26 =	simm.s32 $0xA00;
	v3 =	vperm.xlane v3, v2  }
0x27: {  	[hbm4b:s5+s3] =	stream.indirect_vreg.scatter [tilespmem:s26], [sflag:$0x3], $0x80, v4, vm0, $0xb8;
	[tilespmem:$0x10200] =	vst v63  }
0x28: {  	v3 =	vadd.s32 v1, v3  }
0x29: {  	[hbm4b:s6+s3] =	stream.indirect_vreg.scatter [tilespmem:s28], [sflag:$0x3], $0x80, v4, vm0, $0xb8;
	[tilespmem:$0x10200] =	vst v63  }
0x2a: {  	_ = 	snop  }
0x2b: {  	[hbm4b:s7+s3] =	stream.indirect_vreg.scatter [tilespmem:s31], [sflag:$0x3], $0x80, v4, vm0, $0xb8;
	[tilespmem:$0x10200] =	vst v63  }
0x2c: {  	s25 =	simm.s32 $0x2200  }
0x2d: {  	[hbm4b:s2+s3] =	stream.indirect_vreg.scatter [tilespmem:s25], [sflag:$0x3], $0x80, v3, vm0, $0xb8;
	[tilespmem:$0x10200] =	vst v63  }
0x2e: {  	s25 =	simm.s32 $0x2A00  }
0x2f: {  	[hbm4b:s5+s3] =	stream.indirect_vreg.scatter [tilespmem:s25], [sflag:$0x3], $0x80, v3, vm0, $0xb8;
	[tilespmem:$0x10200] =	vst v63  }
0x30: {  	s25 =	simm.s32 $0x3200  }
0x31: {  	[hbm4b:s6+s3] =	stream.indirect_vreg.scatter [tilespmem:s25], [sflag:$0x3], $0x80, v3, vm0, $0xb8;
	[tilespmem:$0x10200] =	vst v63  }
0x32: {  	s25 =	simm.s32 $0x3A00  }
0x33: {  	[hbm4b:s7+s3] =	stream.indirect_vreg.scatter [tilespmem:s25], [sflag:$0x3], $0x80, v3, vm0, $0xb8;
	[tilespmem:$0x10200] =	vst v63  }
0x34: {  	v3 =	vld [tilespmem:$0x10];
	_ =	sdelay $0x4  }
0x35: {  	v57 =	vshll.u32 v3, $0x3  }
0x36: {  	v3 =	vand.u32 $0x7, v3;
	v4 =	vand.u32 $0xFFFFFFC0, v57  }
0x37: {  	v3 =	vor.u32 v3, v4  }
0x38: {  	v4 =	vperm.xlane v3, v0;
	_ =	sdelay $0x1  }
0x39: {  	v4 =	vadd.s32 v1, v4;
	_ =	sdelay $0x3  }
0x3a: {  	s25 =	simm.s32 $0x4200  }
0x3b: {  	[hbm4b:s2+s3] =	stream.indirect_vreg.scatter [tilespmem:s25], [sflag:$0x3], $0x80, v4, vm0, $0xb8;
	[tilespmem:$0x10200] =	vst v63  }
0x3c: {  	v3 =	vperm.xlane v3, v2;
	s25 =	simm.s32 $0x4A00  }
0x3d: {  	[hbm4b:s5+s3] =	stream.indirect_vreg.scatter [tilespmem:s25], [sflag:$0x3], $0x80, v4, vm0, $0xb8;
	[tilespmem:$0x10200] =	vst v63  }
0x3e: {  	v3 =	vadd.s32 v1, v3;
	s25 =	simm.s32 $0x5200  }
0x3f: {  	[hbm4b:s6+s3] =	stream.indirect_vreg.scatter [tilespmem:s25], [sflag:$0x3], $0x80, v4, vm0, $0xb8;
	[tilespmem:$0x10200] =	vst v63  }
0x40: {  	s25 =	simm.s32 $0x5A00  }
0x41: {  	[hbm4b:s7+s3] =	stream.indirect_vreg.scatter [tilespmem:s25], [sflag:$0x3], $0x80, v4, vm0, $0xb8;
	[tilespmem:$0x10200] =	vst v63  }
0x42: {  	s25 =	simm.s32 $0x6200  }
0x43: {  	[hbm4b:s2+s3] =	stream.indirect_vreg.scatter [tilespmem:s25], [sflag:$0x3], $0x80, v3, vm0, $0xb8;
	[tilespmem:$0x10200] =	vst v63  }
0x44: {  	s25 =	simm.s32 $0x6A00  }
0x45: {  	[hbm4b:s5+s3] =	stream.indirect_vreg.scatter [tilespmem:s25], [sflag:$0x3], $0x80, v3, vm0, $0xb8;
	[tilespmem:$0x10200] =	vst v63  }
0x46: {  	s25 =	simm.s32 $0x7200  }
0x47: {  	[hbm4b:s6+s3] =	stream.indirect_vreg.scatter [tilespmem:s25], [sflag:$0x3], $0x80, v3, vm0, $0xb8;
	[tilespmem:$0x10200] =	vst v63  }
0x48: {  	s25 =	simm.s32 $0x7A00  }
0x49: {  	[hbm4b:s7+s3] =	stream.indirect_vreg.scatter [tilespmem:s25], [sflag:$0x3], $0x80, v3, vm0, $0xb8;
	[tilespmem:$0x10200] =	vst v63  }
0x4a: {  	_ =	swait.ge [sflag:s30], $0x8000  }
0x4b: {  	[sflag:s30] =	ssyncset.done $0x0  }
0x4c: {  	s0 =	rddreg [dreg:$0x6];
	[sflag:s30] =	ssyncadd.s32 $0xFFFF8000  }
0x4d: {  	[tilespmem:s11], [sflag:$0x1] =	stream.linear.gather [hbm4b:s0+s3], $0x8000, $0x38;
	[tilespmem:$0x10200] =	vst v63  }
0x4e: {  	s0 =	simm.s32 $0x2  }
0x4f: {  	_ =	swait.ge [sflag:s0], $0x8000  }
0x50: {  	[sflag:s0] =	ssyncset.done $0x0  }
0x51: {  	[sflag:s0] =	ssyncadd.s32 $0xFFFF8000  }
0x52: {  	v3 =	vld [tilespmem:$0x80];
	_ =	sdelay $0x4  }
0x53: {  	v58 =	vshll.u32 v3, $0x3  }
0x54: {  	v3 =	vand.u32 $0x7, v3;
	v4 =	vand.u32 $0xFFFFFFC0, v58  }
0x55: {  	v3 =	vor.u32 v3, v4  }
0x56: {  	v4 =	vperm.xlane v3, v0;
	_ =	sdelay $0x1  }
0x57: {  	v4 =	vadd.s32 v1, v4;
	_ =	sdelay $0x4  }
0x58: {  	[hbm4b:s2+s3] =	stream.indirect_vreg.scatter [tilespmem:s12], [sflag:$0x4], $0x80, v4, vm0, $0xb8;
	[tilespmem:$0x10200] =	vst v63  }
0x59: {  	v3 =	vperm.xlane v3, v2  }
0x5a: {  	[hbm4b:s5+s3] =	stream.indirect_vreg.scatter [tilespmem:s22], [sflag:$0x4], $0x80, v4, vm0, $0xb8;
	[tilespmem:$0x10200] =	vst v63  }
0x5b: {  	v3 =	vadd.s32 v1, v3  }
0x5c: {  	[hbm4b:s6+s3] =	stream.indirect_vreg.scatter [tilespmem:s23], [sflag:$0x4], $0x80, v4, vm0, $0xb8;
	[tilespmem:$0x10200] =	vst v63  }
0x5d: {  	_ = 	snop  }
0x5e: {  	[hbm4b:s7+s3] =	stream.indirect_vreg.scatter [tilespmem:s9], [sflag:$0x4], $0x80, v4, vm0, $0xb8;
	[tilespmem:$0x10200] =	vst v63  }
0x5f: {  	_ = 	snop  }
0x60: {  	[hbm4b:s2+s3] =	stream.indirect_vreg.scatter [tilespmem:s10], [sflag:$0x4], $0x80, v3, vm0, $0xb8;
	[tilespmem:$0x10200] =	vst v63  }
0x61: {  	_ = 	snop  }
0x62: {  	[hbm4b:s5+s3] =	stream.indirect_vreg.scatter [tilespmem:s1], [sflag:$0x4], $0x80, v3, vm0, $0xb8;
	[tilespmem:$0x10200] =	vst v63  }
0x63: {  	_ = 	snop  }
0x64: {  	[hbm4b:s6+s3] =	stream.indirect_vreg.scatter [tilespmem:s4], [sflag:$0x4], $0x80, v3, vm0, $0xb8;
	[tilespmem:$0x10200] =	vst v63  }
0x65: {  	_ = 	snop  }
0x66: {  	[hbm4b:s7+s3] =	stream.indirect_vreg.scatter [tilespmem:s13], [sflag:$0x4], $0x80, v3, vm0, $0xb8;
	[tilespmem:$0x10200] =	vst v63  }
0x67: {  	v3 =	vld [tilespmem:$0x90];
	_ =	sdelay $0x4  }
0x68: {  	v59 =	vshll.u32 v3, $0x3  }
0x69: {  	v3 =	vand.u32 $0x7, v3;
	v4 =	vand.u32 $0xFFFFFFC0, v59  }
0x6a: {  	v3 =	vor.u32 v3, v4  }
0x6b: {  	v4 =	vperm.xlane v3, v0;
	_ =	sdelay $0x1  }
0x6c: {  	v4 =	vadd.s32 v1, v4;
	_ =	sdelay $0x4  }
0x6d: {  	[hbm4b:s2+s3] =	stream.indirect_vreg.scatter [tilespmem:s14], [sflag:$0x4], $0x80, v4, vm0, $0xb8;
	[tilespmem:$0x10200] =	vst v63  }
0x6e: {  	v3 =	vperm.xlane v3, v2  }
0x6f: {  	[hbm4b:s5+s3] =	stream.indirect_vreg.scatter [tilespmem:s15], [sflag:$0x4], $0x80, v4, vm0, $0xb8;
	[tilespmem:$0x10200] =	vst v63  }
0x70: {  	v3 =	vadd.s32 v1, v3  }
0x71: {  	[hbm4b:s6+s3] =	stream.indirect_vreg.scatter [tilespmem:s16], [sflag:$0x4], $0x80, v4, vm0, $0xb8;
	[tilespmem:$0x10200] =	vst v63  }
0x72: {  	_ = 	snop  }
0x73: {  	[hbm4b:s7+s3] =	stream.indirect_vreg.scatter [tilespmem:s17], [sflag:$0x4], $0x80, v4, vm0, $0xb8;
	[tilespmem:$0x10200] =	vst v63  }
0x74: {  	_ = 	snop  }
0x75: {  	[hbm4b:s2+s3] =	stream.indirect_vreg.scatter [tilespmem:s18], [sflag:$0x4], $0x80, v3, vm0, $0xb8;
	[tilespmem:$0x10200] =	vst v63  }
0x76: {  	_ = 	snop  }
0x77: {  	[hbm4b:s5+s3] =	stream.indirect_vreg.scatter [tilespmem:s19], [sflag:$0x4], $0x80, v3, vm0, $0xb8;
	[tilespmem:$0x10200] =	vst v63  }
0x78: {  	_ = 	snop  }
0x79: {  	[hbm4b:s6+s3] =	stream.indirect_vreg.scatter [tilespmem:s20], [sflag:$0x4], $0x80, v3, vm0, $0xb8;
	[tilespmem:$0x10200] =	vst v63  }
0x7a: {  	_ = 	snop  }
0x7b: {  	[hbm4b:s7+s3] =	stream.indirect_vreg.scatter [tilespmem:s21], [sflag:$0x4], $0x80, v3, vm0, $0xb8;
	[tilespmem:$0x10200] =	vst v63  }
0x7c: {  	_ =	swait.ge [sflag:s24], $0x8000  }
0x7d: {  	[sflag:s24] =	ssyncset.done $0x0  }
0x7e: {  	s25 =	rddreg [dreg:$0x7];
	[sflag:s24] =	ssyncadd.s32 $0xFFFF8000  }
0x7f: {  	[tilespmem:s12], [sflag:$0x2] =	stream.linear.gather [hbm4b:s25+s3], $0x8000, $0x38;
	[tilespmem:$0x10200] =	vst v63  }
0x80: {  	_ =	swait.ge [sflag:s29], $0x8000  }
0x81: {  	[sflag:s29] =	ssyncset.done $0x0  }
0x82: {  	[sflag:s29] =	ssyncadd.s32 $0xFFFF8000  }
0x83: {  	v3 =	vld [tilespmem:$0x100];
	_ =	sdelay $0x4  }
0x84: {  	v60 =	vshll.u32 v3, $0x3  }
0x85: {  	v3 =	vand.u32 $0x7, v3;
	v4 =	vand.u32 $0xFFFFFFC0, v60  }
0x86: {  	v3 =	vor.u32 v3, v4  }
0x87: {  	v4 =	vperm.xlane v3, v0;
	_ =	sdelay $0x1  }
0x88: {  	v4 =	vadd.s32 v1, v4;
	_ =	sdelay $0x4  }
0x89: {  	[hbm4b:s2+s3] =	stream.indirect_vreg.scatter [tilespmem:s11], [sflag:$0x3], $0x80, v4, vm0, $0xb8;
	[tilespmem:$0x10200] =	vst v63  }
0x8a: {  	v3 =	vperm.xlane v3, v2  }
0x8b: {  	[hbm4b:s5+s3] =	stream.indirect_vreg.scatter [tilespmem:s26], [sflag:$0x3], $0x80, v4, vm0, $0xb8;
	[tilespmem:$0x10200] =	vst v63  }
0x8c: {  	v3 =	vadd.s32 v1, v3  }
0x8d: {  	[hbm4b:s6+s3] =	stream.indirect_vreg.scatter [tilespmem:s28], [sflag:$0x3], $0x80, v4, vm0, $0xb8;
	[tilespmem:$0x10200] =	vst v63  }
0x8e: {  	_ = 	snop  }
0x8f: {  	[hbm4b:s7+s3] =	stream.indirect_vreg.scatter [tilespmem:s31], [sflag:$0x3], $0x80, v4, vm0, $0xb8;
	[tilespmem:$0x10200] =	vst v63  }
0x90: {  	s25 =	simm.s32 $0x2200  }
0x91: {  	[hbm4b:s2+s3] =	stream.indirect_vreg.scatter [tilespmem:s25], [sflag:$0x3], $0x80, v3, vm0, $0xb8;
	[tilespmem:$0x10200] =	vst v63  }
0x92: {  	s26 =	simm.s32 $0x2A00  }
0x93: {  	[hbm4b:s5+s3] =	stream.indirect_vreg.scatter [tilespmem:s26], [sflag:$0x3], $0x80, v3, vm0, $0xb8;
	[tilespmem:$0x10200] =	vst v63  }
0x94: {  	s25 =	simm.s32 $0x3200  }
0x95: {  	[hbm4b:s6+s3] =	stream.indirect_vreg.scatter [tilespmem:s25], [sflag:$0x3], $0x80, v3, vm0, $0xb8;
	[tilespmem:$0x10200] =	vst v63  }
0x96: {  	s26 =	simm.s32 $0x3A00  }
0x97: {  	[hbm4b:s7+s3] =	stream.indirect_vreg.scatter [tilespmem:s26], [sflag:$0x3], $0x80, v3, vm0, $0xb8;
	[tilespmem:$0x10200] =	vst v63  }
0x98: {  	v3 =	vld [tilespmem:$0x110];
	_ =	sdelay $0x4  }
0x99: {  	v61 =	vshll.u32 v3, $0x3  }
0x9a: {  	v3 =	vand.u32 $0x7, v3;
	v4 =	vand.u32 $0xFFFFFFC0, v61  }
0x9b: {  	v3 =	vor.u32 v3, v4  }
0x9c: {  	v4 =	vperm.xlane v3, v0;
	_ =	sdelay $0x1  }
0x9d: {  	v4 =	vadd.s32 v1, v4;
	_ =	sdelay $0x3  }
0x9e: {  	s25 =	simm.s32 $0x4200  }
0x9f: {  	[hbm4b:s2+s3] =	stream.indirect_vreg.scatter [tilespmem:s25], [sflag:$0x3], $0x80, v4, vm0, $0xb8;
	[tilespmem:$0x10200] =	vst v63  }
0xa0: {  	s26 =	simm.s32 $0x4A00;
	v3 =	vperm.xlane v3, v2  }
0xa1: {  	[hbm4b:s5+s3] =	stream.indirect_vreg.scatter [tilespmem:s26], [sflag:$0x3], $0x80, v4, vm0, $0xb8;
	[tilespmem:$0x10200] =	vst v63  }
0xa2: {  	v3 =	vadd.s32 v1, v3;
	s25 =	simm.s32 $0x5200  }
0xa3: {  	[hbm4b:s6+s3] =	stream.indirect_vreg.scatter [tilespmem:s25], [sflag:$0x3], $0x80, v4, vm0, $0xb8;
	[tilespmem:$0x10200] =	vst v63  }
0xa4: {  	s26 =	simm.s32 $0x5A00  }
0xa5: {  	[hbm4b:s7+s3] =	stream.indirect_vreg.scatter [tilespmem:s26], [sflag:$0x3], $0x80, v4, vm0, $0xb8;
	[tilespmem:$0x10200] =	vst v63  }
0xa6: {  	s25 =	simm.s32 $0x6200  }
0xa7: {  	[hbm4b:s2+s3] =	stream.indirect_vreg.scatter [tilespmem:s25], [sflag:$0x3], $0x80, v3, vm0, $0xb8;
	[tilespmem:$0x10200] =	vst v63  }
0xa8: {  	s26 =	simm.s32 $0x6A00  }
0xa9: {  	[hbm4b:s5+s3] =	stream.indirect_vreg.scatter [tilespmem:s26], [sflag:$0x3], $0x80, v3, vm0, $0xb8;
	[tilespmem:$0x10200] =	vst v63  }
0xaa: {  	s25 =	simm.s32 $0x7200  }
0xab: {  	[hbm4b:s6+s3] =	stream.indirect_vreg.scatter [tilespmem:s25], [sflag:$0x3], $0x80, v3, vm0, $0xb8;
	[tilespmem:$0x10200] =	vst v63  }
0xac: {  	s26 =	simm.s32 $0x7A00  }
0xad: {  	[hbm4b:s7+s3] =	stream.indirect_vreg.scatter [tilespmem:s26], [sflag:$0x3], $0x80, v3, vm0, $0xb8;
	[tilespmem:$0x10200] =	vst v63  }
0xae: {  	_ =	swait.ge [sflag:s0], $0x8000  }
0xaf: {  	[sflag:s0] =	ssyncset.done $0x0  }
0xb0: {  	[sflag:s0] =	ssyncadd.s32 $0xFFFF8000  }
0xb1: {  	v3 =	vld [tilespmem:$0x180];
	_ =	sdelay $0x4  }
0xb2: {  	v62 =	vshll.u32 v3, $0x3  }
0xb3: {  	v3 =	vand.u32 $0x7, v3;
	v4 =	vand.u32 $0xFFFFFFC0, v62  }
0xb4: {  	v3 =	vor.u32 v3, v4  }
0xb5: {  	v4 =	vperm.xlane v3, v0;
	_ =	sdelay $0x1  }
0xb6: {  	v4 =	vadd.s32 v1, v4;
	_ =	sdelay $0x4  }
0xb7: {  	[hbm4b:s2+s3] =	stream.indirect_vreg.scatter [tilespmem:s12], [sflag:$0x4], $0x80, v4, vm0, $0xb8;
	[tilespmem:$0x10200] =	vst v63  }
0xb8: {  	v3 =	vperm.xlane v3, v2  }
0xb9: {  	[hbm4b:s5+s3] =	stream.indirect_vreg.scatter [tilespmem:s22], [sflag:$0x4], $0x80, v4, vm0, $0xb8;
	[tilespmem:$0x10200] =	vst v63  }
0xba: {  	v3 =	vadd.s32 v1, v3  }
0xbb: {  	[hbm4b:s6+s3] =	stream.indirect_vreg.scatter [tilespmem:s23], [sflag:$0x4], $0x80, v4, vm0, $0xb8;
	[tilespmem:$0x10200] =	vst v63  }
0xbc: {  	_ = 	snop  }
0xbd: {  	[hbm4b:s7+s3] =	stream.indirect_vreg.scatter [tilespmem:s9], [sflag:$0x4], $0x80, v4, vm0, $0xb8;
	[tilespmem:$0x10200] =	vst v63  }
0xbe: {  	_ = 	snop  }
0xbf: {  	[hbm4b:s2+s3] =	stream.indirect_vreg.scatter [tilespmem:s10], [sflag:$0x4], $0x80, v3, vm0, $0xb8;
	[tilespmem:$0x10200] =	vst v63  }
0xc0: {  	_ = 	snop  }
0xc1: {  	[hbm4b:s5+s3] =	stream.indirect_vreg.scatter [tilespmem:s1], [sflag:$0x4], $0x80, v3, vm0, $0xb8;
	[tilespmem:$0x10200] =	vst v63  }
0xc2: {  	_ = 	snop  }
0xc3: {  	[hbm4b:s6+s3] =	stream.indirect_vreg.scatter [tilespmem:s4], [sflag:$0x4], $0x80, v3, vm0, $0xb8;
	[tilespmem:$0x10200] =	vst v63  }
0xc4: {  	_ = 	snop  }
0xc5: {  	[hbm4b:s7+s3] =	stream.indirect_vreg.scatter [tilespmem:s13], [sflag:$0x4], $0x80, v3, vm0, $0xb8;
	[tilespmem:$0x10200] =	vst v63  }
0xc6: {  	v3 =	vld [tilespmem:$0x190];
	_ =	sdelay $0x4  }
0xc7: {  	v63 =	vshll.u32 v3, $0x3  }
0xc8: {  	v3 =	vand.u32 $0x7, v3;
	v4 =	vand.u32 $0xFFFFFFC0, v63  }
0xc9: {  	v3 =	vor.u32 v3, v4  }
0xca: {  	v4 =	vperm.xlane v3, v0;
	_ =	sdelay $0x1  }
0xcb: {  	v4 =	vadd.s32 v1, v4;
	_ =	sdelay $0x4  }
0xcc: {  	[hbm4b:s2+s3] =	stream.indirect_vreg.scatter [tilespmem:s14], [sflag:$0x4], $0x80, v4, vm0, $0xb8;
	[tilespmem:$0x10200] =	vst v63  }
0xcd: {  	v3 =	vperm.xlane v3, v2  }
0xce: {  	[hbm4b:s5+s3] =	stream.indirect_vreg.scatter [tilespmem:s15], [sflag:$0x4], $0x80, v4, vm0, $0xb8;
	[tilespmem:$0x10200] =	vst v63  }
0xcf: {  	v3 =	vadd.s32 v1, v3  }
0xd0: {  	[hbm4b:s6+s3] =	stream.indirect_vreg.scatter [tilespmem:s16], [sflag:$0x4], $0x80, v4, vm0, $0xb8;
	[tilespmem:$0x10200] =	vst v63  }
0xd1: {  	_ = 	snop  }
0xd2: {  	[hbm4b:s7+s3] =	stream.indirect_vreg.scatter [tilespmem:s17], [sflag:$0x4], $0x80, v4, vm0, $0xb8;
	[tilespmem:$0x10200] =	vst v63  }
0xd3: {  	_ = 	snop  }
0xd4: {  	[hbm4b:s2+s3] =	stream.indirect_vreg.scatter [tilespmem:s18], [sflag:$0x4], $0x80, v3, vm0, $0xb8;
	[tilespmem:$0x10200] =	vst v63  }
0xd5: {  	_ = 	snop  }
0xd6: {  	[hbm4b:s5+s3] =	stream.indirect_vreg.scatter [tilespmem:s19], [sflag:$0x4], $0x80, v3, vm0, $0xb8;
	[tilespmem:$0x10200] =	vst v63  }
0xd7: {  	_ = 	snop  }
0xd8: {  	[hbm4b:s6+s3] =	stream.indirect_vreg.scatter [tilespmem:s20], [sflag:$0x4], $0x80, v3, vm0, $0xb8;
	[tilespmem:$0x10200] =	vst v63  }
0xd9: {  	_ = 	snop  }
0xda: {  	[hbm4b:s7+s3] =	stream.indirect_vreg.scatter [tilespmem:s21], [sflag:$0x4], $0x80, v3, vm0, $0xb8;
	[tilespmem:$0x10200] =	vst v63  }
0xdb: {  	p0 =	sne.s32 s8, $0x1;
	_ =	swait.ge [sflag:s30], $0x8000  }
.Ltmp0:
0xdc: {  	[sflag:s30] =	ssyncset.done $0x0;
	(pc) =	sbr.rel @p0 .LBB2_1-.Ltmp0, $4  }
0xdd: {  	[sflag:s30] =	ssyncadd.s32 $0xFFFF8000  }
0xde: {  	_ =	swait.ge [sflag:s24], $0x8000  }
0xdf: {  	[sflag:s24] =	ssyncset.done $0x0  }
0xe0: {  	s8 =	sadd.s32 $0xFFFFFFFF, s8;
	[sflag:s24] =	ssyncadd.s32 $0xFFFF8000  }
0xe1: {  	_ =	sfence.sel $0x180000  }
0xe2: {  	[bflag:$0x0] =	sbarrier.arrive $0xFFFF  }
0xe3: {  	_ =	strace $0x90000047  }
0xe4: {  	s0 =	stileid.u32;
	[bflag:$0x2] =	sbarrier.arrive $0xFFFF  }
0xe5: {  	p0 =	sne.s32 s0, $0x0;
	s0 =	rddreg [dreg:$0x3]  }
0xe6: {  	s0 =	sadd.s32 @!p0 $0x100000, s0  }
0xe7: {  	[sflag:s0] =	ssyncadd.tile.s32 @!p0 $0x1;
	_ =	shalt  }
.Lfunc_end2:
_tile_overlayer_lowered:
.L_overlay_start_2:
0xe8: {  	(tag) =	ssettag $0x2  }
0xe9: {  	s0 =	rddreg [dreg:$0x0];
	s2 =	stileid.u32  }
0xea: {  	s1 =	rddreg [dreg:$0x1];
	p0 =	sne.s32 s2, $0x0  }
0xeb: {  	s3 =	rddreg [dreg:$0x2];
	[bflag:$0x3] =	sbarrier.arrive $0xFFFF;
	s2 =	simm.s32 @!p0 $0x1C05  }
0xec: {  	[timem:s3], [sflag:s2] =	dma.local @!p0 [hbm:s0], s1  }
0xed: {  	s0 =	simm.s32 @!p0 $0x5  }
0xee: {  	_ =	swait.ge @!p0 [sflag:s0], s1  }
0xef: {  	s1 =	ssub.s32 @!p0 $0x0, s1;
	[sflag:s0] =	ssyncset.done @!p0 $0x0  }
0xf0: {  	[sflag:s0] =	ssyncadd.s32 @!p0 s1  }
0xf1: {  	[bflag:$0x3] =	sbarrier.arrive $0xFFFF  }
0xf2: {  	_ =	shalt  }

// kernel: kernel.8.cloned.1.call-start
scs
__scs_entry_jumppad:
0x0: {  	(pc) =	sbr.rel $0x88, $3  }
0x1: {  	(tag) =	ssettag $0x0;
	lr =	simm.s32 $0x1  }
0x2: {  	[smem:$0x3F9E] =	sst lr;
	_ =	strace $0xD0000000  }
0x3: {  	_ = 	snop  }
0x4: {  	_ = 	snop  }
0x5: {  	_ = 	snop  }
0x6: {  	_ = 	snop  }
0x7: {  	_ = 	snop  }
__scs_overlays_trampoline_lowered:
0x8: {  	[smem:$0x3FAD] =	sst s0  }
0x9: {  	[smem:$0x3FAE] =	sst s1  }
0xa: {  	[smem:$0x3FAF] =	sst s2  }
0xb: {  	[smem:$0x3FB0] =	sst s3  }
0xc: {  	[smem:$0x3FB1] =	sst s4  }
0xd: {  	[smem:$0x3FB2] =	sst s5  }
0xe: {  	[smem:$0x3FB3] =	sst s6  }
0xf: {  	[smem:$0x3FB4] =	sst s7  }
0x10: {  	[smem:$0x3FB5] =	sst s8  }
0x11: {  	[smem:$0x3FB6] =	sst s9;
	s0 =	simm.s32 @!p0 $0x0  }
0x12: {  	s1 =	sld [smem:$0x3F9C];
	s0 =	simm.s32 @p0 $0x1  }
0x13: {  	[smem:$0x3FB7] =	sst s0;
	s0 =	simm.s32 @!p1 $0x0  }
0x14: {  	s2 =	sld [smem:$0x3F9B];
	s0 =	simm.s32 @p1 $0x1  }
0x15: {  	[smem:$0x3FB8] =	sst s0;
	s0 =	simm.s32 @!p2 $0x0  }
0x16: {  	s3 =	sld [smem:$0x3FDB];
	s0 =	simm.s32 @p2 $0x1  }
0x17: {  	s4 =	simm.s32 $0x1BF5;
	[smem:$0x3FBA] =	sst s0  }
0x18: {  	s0 =	sld [smem:$0x3F9D];
	_ =	swait.ge [sflag:s4], $0x0  }
0x19: {  	s7 =	sld [smem:$0x3F9E]  }
0x1a: {  	s8 =	sadd.s32 $0xFFFFE003, lr  }
0x1b: {  	s9 =	sadd.s32 $0xFFFFFEF7, lr;
	s5 =	simm.s32 $0xFFFFFFFF;
	p2 =	slt.u32 s8, $0xFFFFF086  }
0x1c: {  	p1 =	slt.u32 s9, $0xF7A;
	s5 =	simm.s32 @!p2 $0x0  }
0x1d: {  	s5 =	simm.s32 @p1 $0x1;
	p0 =	seq.s32 s7, s2  }
0x1e: {  	s7 =	smul.u32 @!p0 $0xF7A, s2;
	p2 =	seq.s32 @!p0 s5, $0x0  }
0x1f: {  	s9 =	smul.u32 $0xF7A, s1;
	s8 =	simm.s32 @!p0 $0x1BF5;
	p2 =	por !p2, p0  }
0x20: {  	[sflag:s8] =	ssyncset.s32 @!p0 $0xFFFFF086;
	s6 =	sadd.s32 @!p0 s3, s7;
	s7 =	simm.s32 @!p0 $0x108  }
0x21: {  	s3 =	sadd.s32 s3, s9;
	s6 =	sadd.s32 @!p0 $0x88, s6;
	s7 =	simm.s32 @p2 $0x1082  }
0x22: {  	[simem:s7], [sflag:s8] =	dma.local @!p0 [hbm:s6], $0xF7A  }
0x23: {  	s9 =	sor.u32 $0xD0000000, s2;
	s6 =	simm.s32 $0x108;
	_ =	swait.ge @!p0 [sflag:s8], $0x0  }
0x24: {  	s3 =	sadd.s32 $0x88, s3;
	s6 =	simm.s32 @!p1 $0x1082;
	[sflag:s4] =	ssyncset.s32 $0xFFFFF086  }
0x25: {  	[simem:s6], [sflag:s4] =	dma.local [hbm:s3], $0xF7A  }
0x26: {  	[smem:$0x3F9E] =	sst s1;
	(tag) =	ssettag s2;
	_ =	strace s9  }
0x27: {  	s1 =	sld [smem:$0x3FAE]  }
0x28: {  	s2 =	sld [smem:$0x3FAF]  }
0x29: {  	s4 =	sld [smem:$0x3FB1]  }
0x2a: {  	p0 =	seq.s32 s5, $0x0;
	s5 =	sld [smem:$0x3FB2]  }
0x2b: {  	s6 =	sld [smem:$0x3FB3]  }
0x2c: {  	s7 =	sld [smem:$0x3FB4]  }
0x2d: {  	s3 =	simm.s32 $0x108;
	s8 =	sld [smem:$0x3FB5]  }
0x2e: {  	s3 =	simm.s32 @!p0 $0x1082;
	s9 =	sld [smem:$0x3FB6]  }
0x2f: {  	lr =	sadd.s32 s0, s3;
	s0 =	sld [smem:$0x3FAD]  }
0x30: {  	s3 =	sld [smem:$0x3FB0]  }
0x31: {  	[smem:$0x3FB9] =	sst s10  }
0x32: {  	s10 =	sld [smem:$0x3FB7];
	_ =	sdelay $0x3  }
0x33: {  	p0 =	seq.s32 s10, $0x1;
	s10 =	sld [smem:$0x3FB9];
	_ =	sdelay $0x3  }
0x34: {  	[smem:$0x3FB9] =	sst s10  }
0x35: {  	s10 =	sld [smem:$0x3FB8];
	_ =	sdelay $0x3  }
0x36: {  	p1 =	seq.s32 s10, $0x1;
	s10 =	sld [smem:$0x3FB9];
	_ =	sdelay $0x3  }
0x37: {  	[smem:$0x3FB9] =	sst s10  }
0x38: {  	s10 =	sld [smem:$0x3FBA]  }
0x39: {  	_ = 	snop;
	(pc) =	sbr.ind lr, $3  }
0x3a: {  	_ = 	snop  }
0x3b: {  	_ = 	snop  }
0x3c: {  	p2 =	seq.s32 s10, $0x1;
	s10 =	sld [smem:$0x3FB9]  }
0x3d: {  	_ =	shalt  }
0x3e: {  	_ =	shalt  }
0x3f: {  	_ =	shalt  }
0x40: {  	_ =	shalt  }
0x41: {  	_ =	shalt  }
0x42: {  	_ =	shalt  }
0x43: {  	_ =	shalt  }
0x44: {  	_ =	shalt  }
0x45: {  	_ =	shalt  }
0x46: {  	_ =	shalt  }
0x47: {  	_ =	shalt  }
0x48: {  	_ =	shalt  }
0x49: {  	_ =	shalt  }
0x4a: {  	_ =	shalt  }
0x4b: {  	_ =	shalt  }
0x4c: {  	_ =	shalt  }
0x4d: {  	_ =	shalt  }
0x4e: {  	_ =	shalt  }
0x4f: {  	_ =	shalt  }
0x50: {  	_ =	shalt  }
0x51: {  	_ =	shalt  }
0x52: {  	_ =	shalt  }
0x53: {  	_ =	shalt  }
0x54: {  	_ =	shalt  }
0x55: {  	_ =	shalt  }
0x56: {  	_ =	shalt  }
0x57: {  	_ =	shalt  }
0x58: {  	_ =	shalt  }
0x59: {  	_ =	shalt  }
0x5a: {  	_ =	shalt  }
0x5b: {  	_ =	shalt  }
0x5c: {  	_ =	shalt  }
0x5d: {  	_ =	shalt  }
0x5e: {  	_ =	shalt  }
0x5f: {  	_ =	shalt  }
0x60: {  	_ =	shalt  }
0x61: {  	_ =	shalt  }
0x62: {  	_ =	shalt  }
0x63: {  	_ =	shalt  }
0x64: {  	_ =	shalt  }
0x65: {  	_ =	shalt  }
0x66: {  	_ =	shalt  }
0x67: {  	_ =	shalt  }
0x68: {  	_ =	shalt  }
0x69: {  	_ =	shalt  }
0x6a: {  	_ =	shalt  }
0x6b: {  	_ =	shalt  }
0x6c: {  	_ =	shalt  }
0x6d: {  	_ =	shalt  }
0x6e: {  	_ =	shalt  }
0x6f: {  	_ =	shalt  }
0x70: {  	_ =	shalt  }
0x71: {  	_ =	shalt  }
0x72: {  	_ =	shalt  }
0x73: {  	_ =	shalt  }
0x74: {  	_ =	shalt  }
0x75: {  	_ =	shalt  }
0x76: {  	_ =	shalt  }
0x77: {  	_ =	shalt  }
0x78: {  	_ =	shalt  }
0x79: {  	_ =	shalt  }
0x7a: {  	_ =	shalt  }
0x7b: {  	_ =	shalt  }
0x7c: {  	_ =	shalt  }
0x7d: {  	_ =	shalt  }
0x7e: {  	_ =	shalt  }
0x7f: {  	_ =	shalt  }
0x80: {  	_ =	shalt  }
0x81: {  	_ =	shalt  }
0x82: {  	_ =	shalt  }
0x83: {  	_ =	shalt  }
0x84: {  	_ =	shalt  }
0x85: {  	_ =	shalt  }
0x86: {  	_ =	shalt  }
0x87: {  	_ =	shalt  }
.Lfunc_end0:
.L_simem_size_0:
called_computation.1_lowered:
.L_overlay_start_0:
0x88: {  	s2 =	sld [smem:$0x3FD9]  }
0x89: {  	s3 =	sld [smem:$0x3FFE];
	_ =	sdelay $0x1  }
0x8a: {  	s1 =	srdreg.scid  }
0x8b: {  	s0 =	sand.u32 $0x1, s1  }
0x8c: {  	s17 =	sshll.u32 s0, $0xA;
	s2 =	sadd.s32 s3, s2  }
0x8d: {  	s2 =	sadd.s32 s2, s17  }
0x8e: {  	[smem:$0x3FC5] =	sst s2  }
0x8f: {  	_ = 	snop  }
0x90: {  	s2 =	sld [smem:$0x3FD0];
	(tm) =	ssettm $0x1  }
0x91: {  	s18 =	sld [smem:$0x3FFB];
	_ =	sdelay $0x3  }
0x92: {  	_ =	strace s18  }
0x93: {  	s3 =	sld [smem:$0x3FFC];
	_ =	sdelay $0x3  }
0x94: {  	_ =	strace s3  }
0x95: {  	s3 =	sld [smem:$0x3FFD];
	_ =	sdelay $0x3  }
0x96: {  	_ =	strace s3  }
0x97: {  	_ =	strace $0x8FFFFFFF  }
0x98: {  	s19 =	sld [smem:$0x3FDB];
	_ =	sdelay $0x1  }
0x99: {  	s4 =	simm.s32 $_scs_section_size  }
0x9a: {  	s5 =	simm.s32 $_size__tile_overlayer_lowered;
	s6 =	simm.s32 $_tile_overlayer_lowered  }
0x9b: {  	s22 =	simm.s32 $0x1BFF;
	s21 =	sshll.u32 s6, $0x1;
	s3 =	sadd.s32 s4, s19  }
0x9c: {  	s7 =	simm.s32 $0x0;
	s20 =	sshll.u32 s5, $0x1;
	s5 =	sadd.s32 s21, s3  }
0x9d: {  	[timem:s7], [sflag:s22] =	dma.local [hbm:s5], s20  }
0x9e: {  	_ =	swait.ge [sflag:s22], s20  }
0x9f: {  	s4 =	ssub.s32 $0x0, s20;
	[sflag:s22] =	ssyncset.done $0x0  }
0xa0: {  	[sflag:s22] =	ssyncadd.s32 s4;
	_ =	sdelay $0x1  }
0xa1: {  	s23 =	simm.s32 $0x1B8B  }
0xa2: {  	_ =	swait.ge [sflag:s23], $0x1  }
0xa3: {  	[sflag:s23] =	ssyncset.done $0x0  }
0xa4: {  	s25 =	simm.s32 $0x1B8E;
	s24 =	sld [smem:$0x3FFE];
	[sflag:s23] =	ssyncadd.s32 $0xFFFFFFFF  }
0xa5: {  	s26 =	simm.s32 $execute0_lowered;
	[smem:$0x3FD2] =	sst s25  }
0xa6: {  	s5 =	sshll.u32 s26, $0x1;
	_ =	strace $0x80000049;
	[dreg:$0x1] =	wrdreg $0xFFFFFFFF  }
0xa7: {  	s28 =	simm.s32 $_size_execute0_lowered;
	s3 =	sadd.s32 s3, s5;
	[dreg:$0x0] =	wrdreg $0x0  }
0xa8: {  	s5 =	sshll.u32 s28, $0x1;
	[dreg:$0x2] =	wrdreg s3  }
0xa9: {  	[dreg:$0x3] =	wrdreg s5  }
0xaa: {  	[dreg:$0x4] =	wrdreg $0xC0  }
0xab: {  	_ =	task [dreg:s7], $0x5FFFF  }
0xac: {  	[dreg:$0x1] =	wrdreg $0xFFFFFFFF  }
0xad: {  	[dreg:$0x0] =	wrdreg $0x60  }
0xae: {  	[dreg:$0x2] =	wrdreg s24  }
0xaf: {  	[dreg:$0x3] =	wrdreg s2  }
0xb0: {  	[dreg:$0x4] =	wrdreg $0x9  }
0xb1: {  	_ =	task.clear_ibuf [dreg:s7], $0x5FFFF;
	_ =	strace $0x90000049  }
0xb2: {  	s29 =	simm.s32 $0x9;
	_ =	strace $0x8000004B  }
0xb3: {  	_ =	swait.ge [sflag:s29], $0x1  }
0xb4: {  	[sflag:s29] =	ssyncadd.s32 $0xFFFFFFFF  }
0xb5: {  	_ =	strace $0x9000004B  }
0xb6: {  	_ =	sfence  }
0xb7: {  	s30 =	sld [smem:$0x0];
	_ =	sdelay $0x2  }
0xb8: {  	s31 =	sshll.u32 s1, $0xD;
	s1 =	sshrl.u32 s1, $0x2  }
0xb9: {  	s3 =	sand.u32 $0x4000, s31;
	s1 =	sadd.s32 s1, s30  }
0xba: {  	s0 =	sor.u32 s3, s0;
	s1 =	sshll.u32 s1, $0x11  }
0xbb: {  	s0 =	sor.u32 s1, s0  }
0xbc: {  	s0 =	sadd.s32 $0x8F2B, s0  }
0xbd: {  	[sflag:s0] =	ssyncadd.remote.s32 $0x1  }
0xbe: {  	_ =	sfence.sel $0xFFFF  }
0xbf: {  	[dreg:$0x0] =	wrdreg $0xFFFFFFFF;
	(pc) =	sbr.abs _section_cstart, $3  }
0xc0: {  	[dreg:$0x1] =	wrdreg $0xFFFFFFFF  }
0xc1: {  	_ =	task.clear_ibuf [dreg:s7], $0x2FFFF;
	_ =	strace $0x9FFFFFFF  }
0xc2: {  	(tm) =	ssettm $0x7FFFFFFF  }
0xc3: {  	_ =	shalt  }
tec
execute0_lowered:
.L_overlay_start_1:
0x0: {  	(tag) =	ssettag $0x1  }
0x1: {  	s0 =	rddreg [dreg:$0x0]  }
0x2: {  	s1 =	rddreg [dreg:$0x1];
	s2 =	simm.s32 $0x0;
	s3 =	srdreg.scid  }
0x3: {  	s5 =	stileid.u32;
	s9 =	simm.s32 $0x1;
	s21 =	simm.s32 $0x3  }
0x4: {  	s22 =	simm.s32 $0x4;
	s28 =	simm.s32 $0x1A00;
	s29 =	simm.s32 $0x2200  }
0x5: {  	s30 =	simm.s32 $0x2A00;
	s31 =	simm.s32 $0x3200;
	s11 =	simm.s32 $0x4A00  }
0x6: {  	s12 =	simm.s32 $0x5200;
	s13 =	simm.s32 $0x5A00;
	s14 =	simm.s32 $0x6200  }
0x7: {  	s15 =	simm.s32 $0x6A00;
	s16 =	simm.s32 $0x7200;
	s17 =	simm.s32 $0x7A00  }
0x8: {  	s20 =	simm.s32 $0x8200;
	s18 =	simm.s32 $0x8A00;
	s19 =	simm.s32 $0x9200  }
0x9: {  	[smem:$0x7FF] =	sst s2;
	s4 =	sand.u32 $0x1, s3;
	s5 =	sshll.u32 s5, $0x1  }
0xa: {  	s3 =	sadd.s32 $0x800, s0;
	s6 =	ssub.s32 $0x2, s4;
	s4 =	sor.u32 s4, s5  }
0xb: {  	_ =	strace $0x8000004A;
	s5 =	sadd.s32 $0x900, s0;
	s7 =	sshll.u32 s4, $0x6  }
0xc: {  	s23 =	sshrl.u32 s6, $0x1;
	s4 =	sshll.u32 s4, $0xE;
	s24 =	sadd.s32 s0, s7  }
0xd: {  	s8 =	ssub.s32 s6, s23;
	s4 =	sadd.s32 s1, s4;
	[dreg:$0x3] =	wrdreg s24  }
0xe: {  	s6 =	sadd.s32 $0xA00, s0;
	s1 =	sadd.s32 $0x1000, s4;
	[dreg:$0x7] =	wrdreg s4  }
0xf: {  	s7 =	sadd.s32 $0xB00, s0;
	s25 =	sadd.s32 $0x2000, s4;
	[dreg:$0x4] =	wrdreg s1  }
0x10: {  	v2 =	vlaneseq.u32;
	s26 =	sadd.s32 $0x3000, s4;
	s8 =	smax.u32 s8, $0x1;
	[dreg:$0x5] =	wrdreg s25  }
0x11: {  	vm0 =	vmmov $0xffff;
	v1 =	vshrl.u32 v2, $0x3;
	s4 =	simm.s32 $0x2;
	s24 =	simm.s32 $0xA00;
	[dreg:$0x6] =	wrdreg s26  }
0x12: {  	v0 =	vand.u32 $0x7, v2;
	v2 =	vor.u32 $0x8, v2;
	v1 =	vmul.u32 $0x8, v1;
	s26 =	simm.s32 $0x200;
	s25 =	simm.s32 $0x1200;
	s1 =	simm.s32 $0x4200  }
.LBB2_1:
0x13: {  	s23 =	rddreg [dreg:$0x3];
	s0 =	simm.s32 $0x5  }
0x14: {  	[tilespmem:s2], [sflag:$0x5] =	stream.linear.gather [hbm4b:s23+s2], $0x200, $0x38;
	[tilespmem:$0x10200] =	vst v63  }
0x15: {  	_ =	swait.ge [sflag:s0], $0x200  }
0x16: {  	[sflag:s0] =	ssyncset.done $0x0  }
0x17: {  	[sflag:s0] =	ssyncadd.s32 $0xFFFFFE00  }
0x18: {  	v3 =	vld [tilespmem:$0x0];
	_ =	sdelay $0x4  }
0x19: {  	v4 =	vshll.u32 v3, $0x3  }
0x1a: {  	v3 =	vand.u32 $0x7, v3;
	v4 =	vand.u32 $0xFFFFFFC0, v4  }
0x1b: {  	v3 =	vor.u32 v3, v4  }
0x1c: {  	v4 =	vperm.xlane v3, v0;
	_ =	sdelay $0x1  }
0x1d: {  	v4 =	vadd.s32 v1, v4;
	_ =	sdelay $0x4  }
0x1e: {  	[tilespmem:s26], [sflag:$0x1] =	stream.indirect_vreg.gather [hbm4b:s3+s2], $0x80, v4, vm0, $0xb8;
	[tilespmem:$0x10200] =	vst v63  }
0x1f: {  	v3 =	vperm.xlane v3, v2  }
0x20: {  	[tilespmem:s24], [sflag:$0x1] =	stream.indirect_vreg.gather [hbm4b:s5+s2], $0x80, v4, vm0, $0xb8;
	[tilespmem:$0x10200] =	vst v63  }
0x21: {  	v3 =	vadd.s32 v1, v3  }
0x22: {  	[tilespmem:s25], [sflag:$0x1] =	stream.indirect_vreg.gather [hbm4b:s6+s2], $0x80, v4, vm0, $0xb8;
	[tilespmem:$0x10200] =	vst v63  }
0x23: {  	_ = 	snop  }
0x24: {  	[tilespmem:s28], [sflag:$0x1] =	stream.indirect_vreg.gather [hbm4b:s7+s2], $0x80, v4, vm0, $0xb8;
	[tilespmem:$0x10200] =	vst v63  }
0x25: {  	_ = 	snop  }
0x26: {  	[tilespmem:s29], [sflag:$0x1] =	stream.indirect_vreg.gather [hbm4b:s3+s2], $0x80, v3, vm0, $0xb8;
	[tilespmem:$0x10200] =	vst v63  }
0x27: {  	_ = 	snop  }
0x28: {  	[tilespmem:s30], [sflag:$0x1] =	stream.indirect_vreg.gather [hbm4b:s5+s2], $0x80, v3, vm0, $0xb8;
	[tilespmem:$0x10200] =	vst v63  }
0x29: {  	_ = 	snop  }
0x2a: {  	[tilespmem:s31], [sflag:$0x1] =	stream.indirect_vreg.gather [hbm4b:s6+s2], $0x80, v3, vm0, $0xb8;
	[tilespmem:$0x10200] =	vst v63  }
0x2b: {  	s0 =	simm.s32 $0x3A00  }
0x2c: {  	[tilespmem:s0], [sflag:$0x1] =	stream.indirect_vreg.gather [hbm4b:s7+s2], $0x80, v3, vm0, $0xb8;
	[tilespmem:$0x10200] =	vst v63  }
0x2d: {  	v3 =	vld [tilespmem:$0x10];
	_ =	sdelay $0x4  }
0x2e: {  	v57 =	vshll.u32 v3, $0x3  }
0x2f: {  	v3 =	vand.u32 $0x7, v3;
	v4 =	vand.u32 $0xFFFFFFC0, v57  }
0x30: {  	v3 =	vor.u32 v3, v4  }
0x31: {  	v4 =	vperm.xlane v3, v0;
	_ =	sdelay $0x1  }
0x32: {  	v4 =	vadd.s32 v1, v4;
	_ =	sdelay $0x4  }
0x33: {  	[tilespmem:s1], [sflag:$0x1] =	stream.indirect_vreg.gather [hbm4b:s3+s2], $0x80, v4, vm0, $0xb8;
	[tilespmem:$0x10200] =	vst v63  }
0x34: {  	v3 =	vperm.xlane v3, v2  }
0x35: {  	[tilespmem:s11], [sflag:$0x1] =	stream.indirect_vreg.gather [hbm4b:s5+s2], $0x80, v4, vm0, $0xb8;
	[tilespmem:$0x10200] =	vst v63  }
0x36: {  	v3 =	vadd.s32 v1, v3  }
0x37: {  	[tilespmem:s12], [sflag:$0x1] =	stream.indirect_vreg.gather [hbm4b:s6+s2], $0x80, v4, vm0, $0xb8;
	[tilespmem:$0x10200] =	vst v63  }
0x38: {  	_ = 	snop  }
0x39: {  	[tilespmem:s13], [sflag:$0x1] =	stream.indirect_vreg.gather [hbm4b:s7+s2], $0x80, v4, vm0, $0xb8;
	[tilespmem:$0x10200] =	vst v63  }
0x3a: {  	_ = 	snop  }
0x3b: {  	[tilespmem:s14], [sflag:$0x1] =	stream.indirect_vreg.gather [hbm4b:s3+s2], $0x80, v3, vm0, $0xb8;
	[tilespmem:$0x10200] =	vst v63  }
0x3c: {  	_ = 	snop  }
0x3d: {  	[tilespmem:s15], [sflag:$0x1] =	stream.indirect_vreg.gather [hbm4b:s5+s2], $0x80, v3, vm0, $0xb8;
	[tilespmem:$0x10200] =	vst v63  }
0x3e: {  	_ = 	snop  }
0x3f: {  	[tilespmem:s16], [sflag:$0x1] =	stream.indirect_vreg.gather [hbm4b:s6+s2], $0x80, v3, vm0, $0xb8;
	[tilespmem:$0x10200] =	vst v63  }
0x40: {  	_ = 	snop  }
0x41: {  	[tilespmem:s17], [sflag:$0x1] =	stream.indirect_vreg.gather [hbm4b:s7+s2], $0x80, v3, vm0, $0xb8;
	[tilespmem:$0x10200] =	vst v63  }
0x42: {  	v3 =	vld [tilespmem:$0x80];
	_ =	sdelay $0x4  }
0x43: {  	v58 =	vshll.u32 v3, $0x3  }
0x44: {  	v3 =	vand.u32 $0x7, v3;
	v4 =	vand.u32 $0xFFFFFFC0, v58  }
0x45: {  	v3 =	vor.u32 v3, v4  }
0x46: {  	v4 =	vperm.xlane v3, v0;
	_ =	sdelay $0x1  }
0x47: {  	v4 =	vadd.s32 v1, v4;
	_ =	sdelay $0x4  }
0x48: {  	[tilespmem:s20], [sflag:$0x2] =	stream.indirect_vreg.gather [hbm4b:s3+s2], $0x80, v4, vm0, $0xb8;
	[tilespmem:$0x10200] =	vst v63  }
0x49: {  	v3 =	vperm.xlane v3, v2  }
0x4a: {  	[tilespmem:s18], [sflag:$0x2] =	stream.indirect_vreg.gather [hbm4b:s5+s2], $0x80, v4, vm0, $0xb8;
	[tilespmem:$0x10200] =	vst v63  }
0x4b: {  	v3 =	vadd.s32 v1, v3  }
0x4c: {  	[tilespmem:s19], [sflag:$0x2] =	stream.indirect_vreg.gather [hbm4b:s6+s2], $0x80, v4, vm0, $0xb8;
	[tilespmem:$0x10200] =	vst v63  }
0x4d: {  	s10 =	simm.s32 $0x9A00  }
0x4e: {  	[tilespmem:s10], [sflag:$0x2] =	stream.indirect_vreg.gather [hbm4b:s7+s2], $0x80, v4, vm0, $0xb8;
	[tilespmem:$0x10200] =	vst v63  }
0x4f: {  	s10 =	simm.s32 $0xA200  }
0x50: {  	[tilespmem:s10], [sflag:$0x2] =	stream.indirect_vreg.gather [hbm4b:s3+s2], $0x80, v3, vm0, $0xb8;
	[tilespmem:$0x10200] =	vst v63  }
0x51: {  	s23 =	simm.s32 $0xAA00  }
0x52: {  	[tilespmem:s23], [sflag:$0x2] =	stream.indirect_vreg.gather [hbm4b:s5+s2], $0x80, v3, vm0, $0xb8;
	[tilespmem:$0x10200] =	vst v63  }
0x53: {  	s23 =	simm.s32 $0xB200  }
0x54: {  	[tilespmem:s23], [sflag:$0x2] =	stream.indirect_vreg.gather [hbm4b:s6+s2], $0x80, v3, vm0, $0xb8;
	[tilespmem:$0x10200] =	vst v63  }
0x55: {  	s23 =	simm.s32 $0xBA00  }
0x56: {  	[tilespmem:s23], [sflag:$0x2] =	stream.indirect_vreg.gather [hbm4b:s7+s2], $0x80, v3, vm0, $0xb8;
	[tilespmem:$0x10200] =	vst v63  }
0x57: {  	v3 =	vld [tilespmem:$0x90];
	_ =	sdelay $0x4  }
0x58: {  	v59 =	vshll.u32 v3, $0x3  }
0x59: {  	v3 =	vand.u32 $0x7, v3;
	v4 =	vand.u32 $0xFFFFFFC0, v59  }
0x5a: {  	v3 =	vor.u32 v3, v4  }
0x5b: {  	v4 =	vperm.xlane v3, v0;
	_ =	sdelay $0x1  }
0x5c: {  	v4 =	vadd.s32 v1, v4;
	_ =	sdelay $0x3  }
0x5d: {  	s23 =	simm.s32 $0xC200  }
0x5e: {  	[tilespmem:s23], [sflag:$0x2] =	stream.indirect_vreg.gather [hbm4b:s3+s2], $0x80, v4, vm0, $0xb8;
	[tilespmem:$0x10200] =	vst v63  }
0x5f: {  	v3 =	vperm.xlane v3, v2;
	s23 =	simm.s32 $0xCA00  }
0x60: {  	[tilespmem:s23], [sflag:$0x2] =	stream.indirect_vreg.gather [hbm4b:s5+s2], $0x80, v4, vm0, $0xb8;
	[tilespmem:$0x10200] =	vst v63  }
0x61: {  	v3 =	vadd.s32 v1, v3;
	s23 =	simm.s32 $0xD200  }
0x62: {  	[tilespmem:s23], [sflag:$0x2] =	stream.indirect_vreg.gather [hbm4b:s6+s2], $0x80, v4, vm0, $0xb8;
	[tilespmem:$0x10200] =	vst v63  }
0x63: {  	s23 =	simm.s32 $0xDA00  }
0x64: {  	[tilespmem:s23], [sflag:$0x2] =	stream.indirect_vreg.gather [hbm4b:s7+s2], $0x80, v4, vm0, $0xb8;
	[tilespmem:$0x10200] =	vst v63  }
0x65: {  	s23 =	simm.s32 $0xE200  }
0x66: {  	[tilespmem:s23], [sflag:$0x2] =	stream.indirect_vreg.gather [hbm4b:s3+s2], $0x80, v3, vm0, $0xb8;
	[tilespmem:$0x10200] =	vst v63  }
0x67: {  	s23 =	simm.s32 $0xEA00  }
0x68: {  	[tilespmem:s23], [sflag:$0x2] =	stream.indirect_vreg.gather [hbm4b:s5+s2], $0x80, v3, vm0, $0xb8;
	[tilespmem:$0x10200] =	vst v63  }
0x69: {  	s23 =	simm.s32 $0xF200  }
0x6a: {  	[tilespmem:s23], [sflag:$0x2] =	stream.indirect_vreg.gather [hbm4b:s6+s2], $0x80, v3, vm0, $0xb8;
	[tilespmem:$0x10200] =	vst v63  }
0x6b: {  	s23 =	simm.s32 $0xFA00  }
0x6c: {  	[tilespmem:s23], [sflag:$0x2] =	stream.indirect_vreg.gather [hbm4b:s7+s2], $0x80, v3, vm0, $0xb8;
	[tilespmem:$0x10200] =	vst v63  }
0x6d: {  	_ =	swait.ge [sflag:s9], $0x8000  }
0x6e: {  	[sflag:s9] =	ssyncset.done $0x0  }
0x6f: {  	s23 =	rddreg [dreg:$0x7];
	[sflag:s9] =	ssyncadd.s32 $0xFFFF8000  }
0x70: {  	[hbm4b:s23+s2] =	stream.linear.scatter [tilespmem:s26], [sflag:$0x3], $0x8000, $0x38;
	[tilespmem:$0x10200] =	vst v63  }
0x71: {  	_ =	swait.ge [sflag:s21], $0x8000  }
0x72: {  	[sflag:s21] =	ssyncset.done $0x0  }
0x73: {  	[sflag:s21] =	ssyncadd.s32 $0xFFFF8000  }
0x74: {  	v3 =	vld [tilespmem:$0x100];
	_ =	sdelay $0x4  }
0x75: {  	v60 =	vshll.u32 v3, $0x3  }
0x76: {  	v3 =	vand.u32 $0x7, v3;
	v4 =	vand.u32 $0xFFFFFFC0, v60  }
0x77: {  	v3 =	vor.u32 v3, v4  }
0x78: {  	v4 =	vperm.xlane v3, v0;
	_ =	sdelay $0x1  }
0x79: {  	v4 =	vadd.s32 v1, v4;
	_ =	sdelay $0x4  }
0x7a: {  	[tilespmem:s26], [sflag:$0x1] =	stream.indirect_vreg.gather [hbm4b:s3+s2], $0x80, v4, vm0, $0xb8;
	[tilespmem:$0x10200] =	vst v63  }
0x7b: {  	v3 =	vperm.xlane v3, v2  }
0x7c: {  	[tilespmem:s24], [sflag:$0x1] =	stream.indirect_vreg.gather [hbm4b:s5+s2], $0x80, v4, vm0, $0xb8;
	[tilespmem:$0x10200] =	vst v63  }
0x7d: {  	v3 =	vadd.s32 v1, v3  }
0x7e: {  	[tilespmem:s25], [sflag:$0x1] =	stream.indirect_vreg.gather [hbm4b:s6+s2], $0x80, v4, vm0, $0xb8;
	[tilespmem:$0x10200] =	vst v63  }
0x7f: {  	_ = 	snop  }
0x80: {  	[tilespmem:s28], [sflag:$0x1] =	stream.indirect_vreg.gather [hbm4b:s7+s2], $0x80, v4, vm0, $0xb8;
	[tilespmem:$0x10200] =	vst v63  }
0x81: {  	_ = 	snop  }
0x82: {  	[tilespmem:s29], [sflag:$0x1] =	stream.indirect_vreg.gather [hbm4b:s3+s2], $0x80, v3, vm0, $0xb8;
	[tilespmem:$0x10200] =	vst v63  }
0x83: {  	_ = 	snop  }
0x84: {  	[tilespmem:s30], [sflag:$0x1] =	stream.indirect_vreg.gather [hbm4b:s5+s2], $0x80, v3, vm0, $0xb8;
	[tilespmem:$0x10200] =	vst v63  }
0x85: {  	_ = 	snop  }
0x86: {  	[tilespmem:s31], [sflag:$0x1] =	stream.indirect_vreg.gather [hbm4b:s6+s2], $0x80, v3, vm0, $0xb8;
	[tilespmem:$0x10200] =	vst v63  }
0x87: {  	_ = 	snop  }
0x88: {  	[tilespmem:s0], [sflag:$0x1] =	stream.indirect_vreg.gather [hbm4b:s7+s2], $0x80, v3, vm0, $0xb8;
	[tilespmem:$0x10200] =	vst v63  }
0x89: {  	v3 =	vld [tilespmem:$0x110];
	_ =	sdelay $0x4  }
0x8a: {  	v61 =	vshll.u32 v3, $0x3  }
0x8b: {  	v3 =	vand.u32 $0x7, v3;
	v4 =	vand.u32 $0xFFFFFFC0, v61  }
0x8c: {  	v3 =	vor.u32 v3, v4  }
0x8d: {  	v4 =	vperm.xlane v3, v0;
	_ =	sdelay $0x1  }
0x8e: {  	v4 =	vadd.s32 v1, v4;
	_ =	sdelay $0x4  }
0x8f: {  	[tilespmem:s1], [sflag:$0x1] =	stream.indirect_vreg.gather [hbm4b:s3+s2], $0x80, v4, vm0, $0xb8;
	[tilespmem:$0x10200] =	vst v63  }
0x90: {  	v3 =	vperm.xlane v3, v2  }
0x91: {  	[tilespmem:s11], [sflag:$0x1] =	stream.indirect_vreg.gather [hbm4b:s5+s2], $0x80, v4, vm0, $0xb8;
	[tilespmem:$0x10200] =	vst v63  }
0x92: {  	v3 =	vadd.s32 v1, v3  }
0x93: {  	[tilespmem:s12], [sflag:$0x1] =	stream.indirect_vreg.gather [hbm4b:s6+s2], $0x80, v4, vm0, $0xb8;
	[tilespmem:$0x10200] =	vst v63  }
0x94: {  	_ = 	snop  }
0x95: {  	[tilespmem:s13], [sflag:$0x1] =	stream.indirect_vreg.gather [hbm4b:s7+s2], $0x80, v4, vm0, $0xb8;
	[tilespmem:$0x10200] =	vst v63  }
0x96: {  	_ = 	snop  }
0x97: {  	[tilespmem:s14], [sflag:$0x1] =	stream.indirect_vreg.gather [hbm4b:s3+s2], $0x80, v3, vm0, $0xb8;
	[tilespmem:$0x10200] =	vst v63  }
0x98: {  	_ = 	snop  }
0x99: {  	[tilespmem:s15], [sflag:$0x1] =	stream.indirect_vreg.gather [hbm4b:s5+s2], $0x80, v3, vm0, $0xb8;
	[tilespmem:$0x10200] =	vst v63  }
0x9a: {  	_ = 	snop  }
0x9b: {  	[tilespmem:s16], [sflag:$0x1] =	stream.indirect_vreg.gather [hbm4b:s6+s2], $0x80, v3, vm0, $0xb8;
	[tilespmem:$0x10200] =	vst v63  }
0x9c: {  	_ = 	snop  }
0x9d: {  	[tilespmem:s17], [sflag:$0x1] =	stream.indirect_vreg.gather [hbm4b:s7+s2], $0x80, v3, vm0, $0xb8;
	[tilespmem:$0x10200] =	vst v63  }
0x9e: {  	_ =	swait.ge [sflag:s4], $0x8000  }
0x9f: {  	[sflag:s4] =	ssyncset.done $0x0  }
0xa0: {  	s0 =	rddreg [dreg:$0x4];
	[sflag:s4] =	ssyncadd.s32 $0xFFFF8000  }
0xa1: {  	[hbm4b:s0+s2] =	stream.linear.scatter [tilespmem:s20], [sflag:$0x4], $0x8000, $0x38;
	[tilespmem:$0x10200] =	vst v63  }
0xa2: {  	_ =	swait.ge [sflag:s22], $0x8000  }
0xa3: {  	[sflag:s22] =	ssyncset.done $0x0  }
0xa4: {  	[sflag:s22] =	ssyncadd.s32 $0xFFFF8000  }
0xa5: {  	v3 =	vld [tilespmem:$0x180];
	_ =	sdelay $0x4  }
0xa6: {  	v62 =	vshll.u32 v3, $0x3  }
0xa7: {  	v3 =	vand.u32 $0x7, v3;
	v4 =	vand.u32 $0xFFFFFFC0, v62  }
0xa8: {  	v3 =	vor.u32 v3, v4  }
0xa9: {  	v4 =	vperm.xlane v3, v0;
	_ =	sdelay $0x1  }
0xaa: {  	v4 =	vadd.s32 v1, v4;
	_ =	sdelay $0x4  }
0xab: {  	[tilespmem:s20], [sflag:$0x2] =	stream.indirect_vreg.gather [hbm4b:s3+s2], $0x80, v4, vm0, $0xb8;
	[tilespmem:$0x10200] =	vst v63  }
0xac: {  	v3 =	vperm.xlane v3, v2  }
0xad: {  	[tilespmem:s18], [sflag:$0x2] =	stream.indirect_vreg.gather [hbm4b:s5+s2], $0x80, v4, vm0, $0xb8;
	[tilespmem:$0x10200] =	vst v63  }
0xae: {  	v3 =	vadd.s32 v1, v3  }
0xaf: {  	[tilespmem:s19], [sflag:$0x2] =	stream.indirect_vreg.gather [hbm4b:s6+s2], $0x80, v4, vm0, $0xb8;
	[tilespmem:$0x10200] =	vst v63  }
0xb0: {  	s23 =	simm.s32 $0x9A00  }
0xb1: {  	[tilespmem:s23], [sflag:$0x2] =	stream.indirect_vreg.gather [hbm4b:s7+s2], $0x80, v4, vm0, $0xb8;
	[tilespmem:$0x10200] =	vst v63  }
0xb2: {  	_ = 	snop  }
0xb3: {  	[tilespmem:s10], [sflag:$0x2] =	stream.indirect_vreg.gather [hbm4b:s3+s2], $0x80, v3, vm0, $0xb8;
	[tilespmem:$0x10200] =	vst v63  }
0xb4: {  	s23 =	simm.s32 $0xAA00  }
0xb5: {  	[tilespmem:s23], [sflag:$0x2] =	stream.indirect_vreg.gather [hbm4b:s5+s2], $0x80, v3, vm0, $0xb8;
	[tilespmem:$0x10200] =	vst v63  }
0xb6: {  	s10 =	simm.s32 $0xB200  }
0xb7: {  	[tilespmem:s10], [sflag:$0x2] =	stream.indirect_vreg.gather [hbm4b:s6+s2], $0x80, v3, vm0, $0xb8;
	[tilespmem:$0x10200] =	vst v63  }
0xb8: {  	s23 =	simm.s32 $0xBA00  }
0xb9: {  	[tilespmem:s23], [sflag:$0x2] =	stream.indirect_vreg.gather [hbm4b:s7+s2], $0x80, v3, vm0, $0xb8;
	[tilespmem:$0x10200] =	vst v63  }
0xba: {  	v3 =	vld [tilespmem:$0x190];
	_ =	sdelay $0x4  }
0xbb: {  	v63 =	vshll.u32 v3, $0x3  }
0xbc: {  	v3 =	vand.u32 $0x7, v3;
	v4 =	vand.u32 $0xFFFFFFC0, v63  }
0xbd: {  	v3 =	vor.u32 v3, v4  }
0xbe: {  	v4 =	vperm.xlane v3, v0;
	_ =	sdelay $0x1  }
0xbf: {  	v4 =	vadd.s32 v1, v4;
	_ =	sdelay $0x3  }
0xc0: {  	s10 =	simm.s32 $0xC200  }
0xc1: {  	[tilespmem:s10], [sflag:$0x2] =	stream.indirect_vreg.gather [hbm4b:s3+s2], $0x80, v4, vm0, $0xb8;
	[tilespmem:$0x10200] =	vst v63  }
0xc2: {  	s23 =	simm.s32 $0xCA00;
	v3 =	vperm.xlane v3, v2  }
0xc3: {  	[tilespmem:s23], [sflag:$0x2] =	stream.indirect_vreg.gather [hbm4b:s5+s2], $0x80, v4, vm0, $0xb8;
	[tilespmem:$0x10200] =	vst v63  }
0xc4: {  	v3 =	vadd.s32 v1, v3;
	s10 =	simm.s32 $0xD200  }
0xc5: {  	[tilespmem:s10], [sflag:$0x2] =	stream.indirect_vreg.gather [hbm4b:s6+s2], $0x80, v4, vm0, $0xb8;
	[tilespmem:$0x10200] =	vst v63  }
0xc6: {  	s23 =	simm.s32 $0xDA00  }
0xc7: {  	[tilespmem:s23], [sflag:$0x2] =	stream.indirect_vreg.gather [hbm4b:s7+s2], $0x80, v4, vm0, $0xb8;
	[tilespmem:$0x10200] =	vst v63  }
0xc8: {  	s10 =	simm.s32 $0xE200  }
0xc9: {  	[tilespmem:s10], [sflag:$0x2] =	stream.indirect_vreg.gather [hbm4b:s3+s2], $0x80, v3, vm0, $0xb8;
	[tilespmem:$0x10200] =	vst v63  }
0xca: {  	s23 =	simm.s32 $0xEA00  }
0xcb: {  	[tilespmem:s23], [sflag:$0x2] =	stream.indirect_vreg.gather [hbm4b:s5+s2], $0x80, v3, vm0, $0xb8;
	[tilespmem:$0x10200] =	vst v63  }
0xcc: {  	s10 =	simm.s32 $0xF200  }
0xcd: {  	[tilespmem:s10], [sflag:$0x2] =	stream.indirect_vreg.gather [hbm4b:s6+s2], $0x80, v3, vm0, $0xb8;
	[tilespmem:$0x10200] =	vst v63  }
0xce: {  	s23 =	simm.s32 $0xFA00  }
0xcf: {  	[tilespmem:s23], [sflag:$0x2] =	stream.indirect_vreg.gather [hbm4b:s7+s2], $0x80, v3, vm0, $0xb8;
	[tilespmem:$0x10200] =	vst v63  }
0xd0: {  	_ =	swait.ge [sflag:s9], $0x8000  }
0xd1: {  	[sflag:s9] =	ssyncset.done $0x0  }
0xd2: {  	s0 =	rddreg [dreg:$0x5];
	[sflag:s9] =	ssyncadd.s32 $0xFFFF8000  }
0xd3: {  	[hbm4b:s0+s2] =	stream.linear.scatter [tilespmem:s26], [sflag:$0x3], $0x8000, $0x38;
	[tilespmem:$0x10200] =	vst v63  }
0xd4: {  	_ =	swait.ge [sflag:s4], $0x8000  }
0xd5: {  	[sflag:s4] =	ssyncset.done $0x0  }
0xd6: {  	s10 =	rddreg [dreg:$0x6];
	[sflag:s4] =	ssyncadd.s32 $0xFFFF8000  }
0xd7: {  	[hbm4b:s10+s2] =	stream.linear.scatter [tilespmem:s20], [sflag:$0x4], $0x8000, $0x38;
	[tilespmem:$0x10200] =	vst v63  }
0xd8: {  	p0 =	sne.s32 s8, $0x1;
	_ =	swait.ge [sflag:s21], $0x8000  }
.Ltmp0:
0xd9: {  	[sflag:s21] =	ssyncset.done $0x0;
	(pc) =	sbr.rel @p0 .LBB2_1-.Ltmp0, $4  }
0xda: {  	[sflag:s21] =	ssyncadd.s32 $0xFFFF8000  }
0xdb: {  	_ =	swait.ge [sflag:s22], $0x8000  }
0xdc: {  	[sflag:s22] =	ssyncset.done $0x0  }
0xdd: {  	s8 =	sadd.s32 $0xFFFFFFFF, s8;
	[sflag:s22] =	ssyncadd.s32 $0xFFFF8000  }
0xde: {  	_ =	sfence.sel $0x180000  }
0xdf: {  	[bflag:$0x0] =	sbarrier.arrive $0xFFFF  }
0xe0: {  	_ =	strace $0x9000004A  }
0xe1: {  	s0 =	stileid.u32;
	[bflag:$0x2] =	sbarrier.arrive $0xFFFF  }
0xe2: {  	p0 =	sne.s32 s0, $0x0;
	s0 =	rddreg [dreg:$0x2]  }
0xe3: {  	s0 =	sadd.s32 @!p0 $0x100000, s0  }
0xe4: {  	[sflag:s0] =	ssyncadd.tile.s32 @!p0 $0x1;
	_ =	shalt  }
.Lfunc_end2:
_tile_overlayer_lowered:
.L_overlay_start_2:
0xe5: {  	(tag) =	ssettag $0x2  }
0xe6: {  	s0 =	rddreg [dreg:$0x0];
	s2 =	stileid.u32  }
0xe7: {  	s1 =	rddreg [dreg:$0x1];
	p0 =	sne.s32 s2, $0x0  }
0xe8: {  	s3 =	rddreg [dreg:$0x2];
	[bflag:$0x3] =	sbarrier.arrive $0xFFFF;
	s2 =	simm.s32 @!p0 $0x1C05  }
0xe9: {  	[timem:s3], [sflag:s2] =	dma.local @!p0 [hbm:s0], s1  }
0xea: {  	s0 =	simm.s32 @!p0 $0x5  }
0xeb: {  	_ =	swait.ge @!p0 [sflag:s0], s1  }
0xec: {  	s1 =	ssub.s32 @!p0 $0x0, s1;
	[sflag:s0] =	ssyncset.done @!p0 $0x0  }
0xed: {  	[sflag:s0] =	ssyncadd.s32 @!p0 s1  }
0xee: {  	[bflag:$0x3] =	sbarrier.arrive $0xFFFF  }
0xef: {  	_ =	shalt  }

</sc_bundles>
